<compile_context>
chip_gen: v7x
topology: tpu7x:2x2x1
jax: 0.10.2.dev20260603
libtpu: 0.0.44.dev20260713+nightly
codegen_flags: <defaults>
</compile_context>

<pallas_src>
import functools

import jax
import jax.numpy as jnp
from jax import lax
from jax.experimental import pallas as pl
from jax.experimental.pallas import tpu as pltpu
from jax.experimental.pallas import tpu_sc as plsc

N_TOKENS = 8192
HIDDEN = 32
BATCH = 4096
BM = 256
KC = 512
NK = N_TOKENS // KC

NW = 32
RPW = BATCH // NW
RPB = 4


def _prep_body(h_ref, ct_ref, h1_ref, a_ref):
    ct = ct_ref[...]
    cn = jnp.sum(ct * ct, axis=0, keepdims=True)
    a_ref[...] = jnp.concatenate([ct * -2.0, cn], axis=0)
    h1_ref[...] = jnp.concatenate(
        [h_ref[...], jnp.ones((BATCH, 1), jnp.float32)], axis=1)


def _tc_body(h1_ref, a_ref, idx_ref, s_ref):
    h1 = h1_ref[...]

    cmin_cols = []
    for k in range(NK):
        scores = jax.lax.dot_general(
            h1, a_ref[:, k * KC:(k + 1) * KC],
            dimension_numbers=(((1,), (0,)), ((), ())),
            preferred_element_type=jnp.float32,
            precision=jax.lax.Precision.HIGHEST,
        )
        s_ref[:, k * KC:(k + 1) * KC] = scores
        cmin_cols.append(jnp.min(scores, axis=1, keepdims=True))

    cmins = jnp.concatenate(cmin_cols, axis=1)
    gmin = jnp.min(cmins, axis=1, keepdims=True)

    run_idx = jnp.full((BM, 1), N_TOKENS, jnp.int32)
    for k in range(NK):
        scores = s_ref[:, k * KC:(k + 1) * KC]
        iota = jax.lax.broadcasted_iota(jnp.int32, (BM, KC), 1) + k * KC
        cidx = jnp.min(jnp.where(scores == gmin, iota, N_TOKENS),
                       axis=1, keepdims=True)
        run_idx = jnp.minimum(run_idx, cidx)
    idx_ref[...] = run_idx


@functools.partial(
    pl.kernel,
    mesh=plsc.VectorSubcoreMesh(core_axis_name="c", subcore_axis_name="s"),
    out_type=jax.ShapeDtypeStruct((BATCH * N_TOKENS,), jnp.float32),
    scratch_types=[
        pltpu.VMEM((RPW,), jnp.int32),
        pltpu.VMEM((RPB * N_TOKENS,), jnp.float32),
        pltpu.VMEM((RPB * N_TOKENS,), jnp.float32),
        pltpu.SemaphoreType.DMA,
        pltpu.SemaphoreType.DMA,
    ],
    compiler_params=pltpu.CompilerParams(needs_layout_passes=False),
)
def _sc_writer(idx_hbm, z_hbm, out_hbm, idx_v, buf_a, buf_b, sem_a, sem_b):
    wid = lax.axis_index("s") * 2 + lax.axis_index("c")
    base = wid * RPW
    pltpu.sync_copy(idx_hbm.at[pl.ds(base, RPW)], idx_v)
    pltpu.sync_copy(z_hbm, buf_a)
    pltpu.sync_copy(z_hbm, buf_b)
    ones = jnp.full((16,), 1.0, jnp.float32)
    zeros = jnp.zeros((16,), jnp.float32)
    lane = lax.iota(jnp.int32, 16)
    rowoff = (lane & (RPB - 1)) * N_TOKENS
    for g in range(RPW // 16):
        idx16 = idx_v[pl.ds(g * 16, 16)]
        pos = rowoff + idx16
        for ph in range(2):
            lo = ph * 2 * RPB
            mask_a = (lane >= lo) & (lane < lo + RPB)
            mask_b = (lane >= lo + RPB) & (lane < lo + 2 * RPB)
            plsc.store_scatter(buf_a, [pos], ones, mask=mask_a)
            plsc.store_scatter(buf_b, [pos], ones, mask=mask_b)
            flat_a = (base + g * 16 + lo) * N_TOKENS
            flat_b = (base + g * 16 + lo + RPB) * N_TOKENS
            ca = pltpu.async_copy(
                buf_a, out_hbm.at[pl.ds(flat_a, RPB * N_TOKENS)], sem_a)
            cb = pltpu.async_copy(
                buf_b, out_hbm.at[pl.ds(flat_b, RPB * N_TOKENS)], sem_b)
            ca.wait()
            cb.wait()
            plsc.store_scatter(buf_a, [pos], zeros, mask=mask_a)
            plsc.store_scatter(buf_b, [pos], zeros, mask=mask_b)


def kernel(h, temperature, codebook):
    del temperature
    ct = codebook.T
    h1, a = pl.pallas_call(
        _prep_body,
        in_specs=[
            pl.BlockSpec((BATCH, HIDDEN), lambda: (0, 0)),
            pl.BlockSpec((HIDDEN, N_TOKENS), lambda: (0, 0)),
        ],
        out_specs=[
            pl.BlockSpec((BATCH, HIDDEN + 1), lambda: (0, 0)),
            pl.BlockSpec((HIDDEN + 1, N_TOKENS), lambda: (0, 0)),
        ],
        out_shape=[
            jax.ShapeDtypeStruct((BATCH, HIDDEN + 1), jnp.float32),
            jax.ShapeDtypeStruct((HIDDEN + 1, N_TOKENS), jnp.float32),
        ],
    )(h, ct)
    idx = pl.pallas_call(
        _tc_body,
        grid=(BATCH // BM,),
        in_specs=[
            pl.BlockSpec((BM, HIDDEN + 1), lambda i: (i, 0)),
            pl.BlockSpec((HIDDEN + 1, N_TOKENS), lambda i: (0, 0)),
        ],
        out_specs=pl.BlockSpec((BM, 1), lambda i: (i, 0)),
        out_shape=jax.ShapeDtypeStruct((BATCH, 1), jnp.int32),
        scratch_shapes=[pltpu.VMEM((BM, N_TOKENS), jnp.float32)],
    )(h1, a)
    zeros_blk = jnp.zeros((RPB * N_TOKENS,), jnp.float32)
    out_flat = _sc_writer(idx.reshape(BATCH), zeros_blk)
    return out_flat.reshape(BATCH, N_TOKENS)

# --- scband reference (transcript-rebuilt; emitter-appended) ---
"""Pipeline reference for scband-vqquantizer-24129126269383 (READ-ONLY COPY).

The authoritative reference and input builder live on the scoring server;
editing this copy changes nothing except your own understanding.
"""

import jax, jax.numpy as jnp
import numpy as np

N_TOKENS = 8192
HIDDEN = 32
BATCH = 4096


def setup_inputs(seed: int = 0) -> dict:
    key = jax.random.key(seed)
    k1, k2 = jax.random.split(key)
    h = jax.random.normal(k1, (BATCH, HIDDEN), dtype=jnp.float32)
    temperature = jnp.ones((), dtype=jnp.float32)
    # learned parameter: codebook, init as in the module (normal * 0.1)
    codebook = jax.random.normal(k2, (N_TOKENS, HIDDEN), dtype=jnp.float32) * 0.1
    return {"h": h, "temperature": temperature, "codebook": codebook}


def reference(h, temperature, codebook):
    # Faithful translation of VQQuantizer.__call__, vmapped over the token batch.
    def single(hv):
        dists = jnp.sum((hv[None, :] - codebook) ** 2, axis=-1)
        idx = jnp.argmin(dists)
        hard = jax.nn.one_hot(idx, N_TOKENS)
        return jax.lax.stop_gradient(hard - jnp.zeros_like(hard)) + jnp.zeros_like(hard)

    return jax.vmap(single)(h)

if __name__ == "__main__":
    import jax
    _d = setup_inputs()
    print(jax.jit(kernel)(*tuple(_d.values())))

</pallas_src>

<mosaic_0001>
#map = affine_map<(d0, d1) -> (0)>
module attributes {stable_mosaic.version = 14 : i64} {
  func.func @_sc_writer(%arg0: i32, %arg1: i32, %arg2: memref<4096xi32, #tpu.memory_space<hbm>>, %arg3: memref<32768xf32, #tpu.memory_space<hbm>>, %arg4: memref<33554432xf32, #tpu.memory_space<hbm>>, %arg5: memref<128xi32, #tpu.memory_space<vmem>>, %arg6: memref<32768xf32, #tpu.memory_space<vmem>>, %arg7: memref<32768xf32, #tpu.memory_space<vmem>>, %arg8: memref<!tpu.dma_semaphore, #tpu.memory_space<semaphore_mem>>, %arg9: memref<!tpu.dma_semaphore, #tpu.memory_space<semaphore_mem>>) attributes {dimension_semantics = [#tpu.dimension_semantics<core_parallel>, #tpu.dimension_semantics<subcore_parallel>], iteration_bounds = array<i64: 2, 16>, scalar_prefetch = 0 : i64, scratch_operands = 5 : i64, tpu.core_type = #tpu.core_type<sc_vector_subcore>, window_params = [{transform_indices = #map}, {transform_indices = #map}, {transform_indices = #map}]} {
    %mul3A = arith.constant 2 : i32
    %mul3A_0 = arith.muli %arg1, %mul3A : i32
    %add3A = arith.addi %mul3A_0, %arg0 : i32
    %mul3A_1 = arith.constant 128 : i32
    %mul3A_2 = arith.muli %add3A, %mul3A_1 : i32
    "tpu.region"() ({
      %run_scoped3A = tpu.sem_alloc : memref<!tpu.dma_semaphore, #tpu.memory_space<semaphore_mem>>
      %dma_start3A_606 = tpu.memref_slice %arg2[%mul3A_2] : memref<4096xi32, #tpu.memory_space<hbm>> -> memref<128xi32, #tpu.memory_space<hbm>>
      %dma_start3A_607 = tpu.memref_slice %arg2[%mul3A_2] : memref<4096xi32, #tpu.memory_space<hbm>> -> memref<128xi32, #tpu.memory_space<hbm>>
      tpu.enqueue_dma source(%dma_start3A_607 : memref<128xi32, #tpu.memory_space<hbm>>) target(%arg5 : memref<128xi32, #tpu.memory_space<vmem>>) target_semaphore(%run_scoped3A : memref<!tpu.dma_semaphore, #tpu.memory_space<semaphore_mem>>)
      %dma_wait3A_608 = tpu.memref_slice %arg2[%mul3A_2] : memref<4096xi32, #tpu.memory_space<hbm>> -> memref<128xi32, #tpu.memory_space<hbm>>
      %dma_wait3A_609 = tpu.memref_slice %arg2[%mul3A_2] : memref<4096xi32, #tpu.memory_space<hbm>> -> memref<128xi32, #tpu.memory_space<hbm>>
      tpu.wait_dma2 semaphore(%run_scoped3A : memref<!tpu.dma_semaphore, #tpu.memory_space<semaphore_mem>>) src(%dma_wait3A_609 : memref<128xi32, #tpu.memory_space<hbm>>) dst(%arg5 : memref<128xi32, #tpu.memory_space<vmem>>)
      tpu.yield
    }) : () -> ()
    "tpu.region"() ({
      %run_scoped3A = tpu.sem_alloc : memref<!tpu.dma_semaphore, #tpu.memory_space<semaphore_mem>>
      tpu.enqueue_dma source(%arg3 : memref<32768xf32, #tpu.memory_space<hbm>>) target(%arg6 : memref<32768xf32, #tpu.memory_space<vmem>>) target_semaphore(%run_scoped3A : memref<!tpu.dma_semaphore, #tpu.memory_space<semaphore_mem>>)
      tpu.wait_dma2 semaphore(%run_scoped3A : memref<!tpu.dma_semaphore, #tpu.memory_space<semaphore_mem>>) src(%arg3 : memref<32768xf32, #tpu.memory_space<hbm>>) dst(%arg6 : memref<32768xf32, #tpu.memory_space<vmem>>)
      tpu.yield
    }) : () -> ()
    "tpu.region"() ({
      %run_scoped3A = tpu.sem_alloc : memref<!tpu.dma_semaphore, #tpu.memory_space<semaphore_mem>>
      tpu.enqueue_dma source(%arg3 : memref<32768xf32, #tpu.memory_space<hbm>>) target(%arg7 : memref<32768xf32, #tpu.memory_space<vmem>>) target_semaphore(%run_scoped3A : memref<!tpu.dma_semaphore, #tpu.memory_space<semaphore_mem>>)
      tpu.wait_dma2 semaphore(%run_scoped3A : memref<!tpu.dma_semaphore, #tpu.memory_space<semaphore_mem>>) src(%arg3 : memref<32768xf32, #tpu.memory_space<hbm>>) dst(%arg7 : memref<32768xf32, #tpu.memory_space<vmem>>)
      tpu.yield
    }) : () -> ()
    %broadcast_in_dim3A = arith.constant 1.000000e+00 : f32
    %broadcast_in_dim3A_3 = vector.broadcast %broadcast_in_dim3A : f32 to vector<16xf32>
    %broadcast_in_dim3A_4 = arith.constant 0.000000e+00 : f32
    %broadcast_in_dim3A_5 = vector.broadcast %broadcast_in_dim3A_4 : f32 to vector<16xf32>
    %iota3A = tpu.iota {dimensions = array<i32: 0>} : vector<16xi32>
    %and3A = arith.constant 3 : i32
    %and3A_6 = vector.broadcast %and3A : i32 to vector<16xi32>
    %and3A_7 = arith.andi %iota3A, %and3A_6 : vector<16xi32>
    %mul3A_8 = arith.constant 8192 : i32
    %mul3A_9 = vector.broadcast %mul3A_8 : i32 to vector<16xi32>
    %mul3A_10 = arith.muli %and3A_7, %mul3A_9 : vector<16xi32>
    %get3A = arith.constant 0 : index
    %get3A_11 = tpu.vector_load %arg5[%get3A] {strides = array<i32>} : memref<128xi32, #tpu.memory_space<vmem>>, vector<16xi32>,
    %add3A_12 = arith.addi %mul3A_10, %get3A_11 : vector<16xi32>
    %ge3A = arith.constant 0 : i32
    %ge3A_13 = vector.broadcast %ge3A : i32 to vector<16xi32>
    %ge3A_14 = arith.cmpi sge, %iota3A, %ge3A_13 : vector<16xi32>
    %lt3A = arith.constant 4 : i32
    %lt3A_15 = vector.broadcast %lt3A : i32 to vector<16xi32>
    %lt3A_16 = arith.cmpi slt, %iota3A, %lt3A_15 : vector<16xi32>
    %and3A_17 = arith.andi %ge3A_14, %lt3A_16 : vector<16xi1>
    %ge3A_18 = arith.constant 4 : i32
    %ge3A_19 = vector.broadcast %ge3A_18 : i32 to vector<16xi32>
    %ge3A_20 = arith.cmpi sge, %iota3A, %ge3A_19 : vector<16xi32>
    %lt3A_21 = arith.constant 8 : i32
    %lt3A_22 = vector.broadcast %lt3A_21 : i32 to vector<16xi32>
    %lt3A_23 = arith.cmpi slt, %iota3A, %lt3A_22 : vector<16xi32>
    %and3A_24 = arith.andi %ge3A_20, %lt3A_23 : vector<16xi1>
    tpu.vector_store_idx %arg6[%add3A_12], %broadcast_in_dim3A_3 masked %and3A_17 : memref<32768xf32, #tpu.memory_space<vmem>>[vector<16xi32>], vector<16xf32>, vector<16xi1>
    tpu.vector_store_idx %arg7[%add3A_12], %broadcast_in_dim3A_3 masked %and3A_24 : memref<32768xf32, #tpu.memory_space<vmem>>[vector<16xi32>], vector<16xf32>, vector<16xi1>
    %add3A_25 = arith.constant 0 : i32
    %add3A_26 = arith.addi %mul3A_2, %add3A_25 : i32
    %add3A_27 = arith.constant 0 : i32
    %add3A_28 = arith.addi %add3A_26, %add3A_27 : i32
    %mul3A_29 = arith.constant 8192 : i32
    %mul3A_30 = arith.muli %add3A_28, %mul3A_29 : i32
    %add3A_31 = arith.constant 0 : i32
    %add3A_32 = arith.addi %mul3A_2, %add3A_31 : i32
    %add3A_33 = arith.constant 0 : i32
    %add3A_34 = arith.addi %add3A_32, %add3A_33 : i32
    %add3A_35 = arith.constant 4 : i32
    %add3A_36 = arith.addi %add3A_34, %add3A_35 : i32
    %mul3A_37 = arith.constant 8192 : i32
    %mul3A_38 = arith.muli %add3A_36, %mul3A_37 : i32
    %dma_start3A = tpu.memref_slice %arg4[%mul3A_30] : memref<33554432xf32, #tpu.memory_space<hbm>> -> memref<32768xf32, #tpu.memory_space<hbm>>
    %dma_start3A_39 = tpu.memref_slice %arg4[%mul3A_30] : memref<33554432xf32, #tpu.memory_space<hbm>> -> memref<32768xf32, #tpu.memory_space<hbm>>
    tpu.enqueue_dma source(%arg6 : memref<32768xf32, #tpu.memory_space<vmem>>) target(%dma_start3A_39 : memref<32768xf32, #tpu.memory_space<hbm>>) target_semaphore(%arg8 : memref<!tpu.dma_semaphore, #tpu.memory_space<semaphore_mem>>)
    %dma_start3A_40 = tpu.memref_slice %arg4[%mul3A_38] : memref<33554432xf32, #tpu.memory_space<hbm>> -> memref<32768xf32, #tpu.memory_space<hbm>>
    %dma_start3A_41 = tpu.memref_slice %arg4[%mul3A_38] : memref<33554432xf32, #tpu.memory_space<hbm>> -> memref<32768xf32, #tpu.memory_space<hbm>>
    tpu.enqueue_dma source(%arg7 : memref<32768xf32, #tpu.memory_space<vmem>>) target(%dma_start3A_41 : memref<32768xf32, #tpu.memory_space<hbm>>) target_semaphore(%arg9 : memref<!tpu.dma_semaphore, #tpu.memory_space<semaphore_mem>>)
    %dma_wait3A = tpu.memref_slice %arg4[%mul3A_30] : memref<33554432xf32, #tpu.memory_space<hbm>> -> memref<32768xf32, #tpu.memory_space<hbm>>
    %dma_wait3A_42 = tpu.memref_slice %arg4[%mul3A_30] : memref<33554432xf32, #tpu.memory_space<hbm>> -> memref<32768xf32, #tpu.memory_space<hbm>>
    tpu.wait_dma2 semaphore(%arg8 : memref<!tpu.dma_semaphore, #tpu.memory_space<semaphore_mem>>) src(%arg6 : memref<32768xf32, #tpu.memory_space<vmem>>) dst(%dma_wait3A_42 : memref<32768xf32, #tpu.memory_space<hbm>>)
    %dma_wait3A_43 = tpu.memref_slice %arg4[%mul3A_38] : memref<33554432xf32, #tpu.memory_space<hbm>> -> memref<32768xf32, #tpu.memory_space<hbm>>
    %dma_wait3A_44 = tpu.memref_slice %arg4[%mul3A_38] : memref<33554432xf32, #tpu.memory_space<hbm>> -> memref<32768xf32, #tpu.memory_space<hbm>>
    tpu.wait_dma2 semaphore(%arg9 : memref<!tpu.dma_semaphore, #tpu.memory_space<semaphore_mem>>) src(%arg7 : memref<32768xf32, #tpu.memory_space<vmem>>) dst(%dma_wait3A_44 : memref<32768xf32, #tpu.memory_space<hbm>>)
    tpu.vector_store_idx %arg6[%add3A_12], %broadcast_in_dim3A_5 masked %and3A_17 : memref<32768xf32, #tpu.memory_space<vmem>>[vector<16xi32>], vector<16xf32>, vector<16xi1>
    tpu.vector_store_idx %arg7[%add3A_12], %broadcast_in_dim3A_5 masked %and3A_24 : memref<32768xf32, #tpu.memory_space<vmem>>[vector<16xi32>], vector<16xf32>, vector<16xi1>
    %ge3A_45 = arith.constant 8 : i32
    %ge3A_46 = vector.broadcast %ge3A_45 : i32 to vector<16xi32>
    %ge3A_47 = arith.cmpi sge, %iota3A, %ge3A_46 : vector<16xi32>
    %lt3A_48 = arith.constant 12 : i32
    %lt3A_49 = vector.broadcast %lt3A_48 : i32 to vector<16xi32>
    %lt3A_50 = arith.cmpi slt, %iota3A, %lt3A_49 : vector<16xi32>
    %and3A_51 = arith.andi %ge3A_47, %lt3A_50 : vector<16xi1>
    %ge3A_52 = arith.constant 12 : i32
    %ge3A_53 = vector.broadcast %ge3A_52 : i32 to vector<16xi32>
    %ge3A_54 = arith.cmpi sge, %iota3A, %ge3A_53 : vector<16xi32>
    %lt3A_55 = arith.constant 16 : i32
    %lt3A_56 = vector.broadcast %lt3A_55 : i32 to vector<16xi32>
    %lt3A_57 = arith.cmpi slt, %iota3A, %lt3A_56 : vector<16xi32>
    %and3A_58 = arith.andi %ge3A_54, %lt3A_57 : vector<16xi1>
    tpu.vector_store_idx %arg6[%add3A_12], %broadcast_in_dim3A_3 masked %and3A_51 : memref<32768xf32, #tpu.memory_space<vmem>>[vector<16xi32>], vector<16xf32>, vector<16xi1>
    tpu.vector_store_idx %arg7[%add3A_12], %broadcast_in_dim3A_3 masked %and3A_58 : memref<32768xf32, #tpu.memory_space<vmem>>[vector<16xi32>], vector<16xf32>, vector<16xi1>
    %add3A_59 = arith.constant 0 : i32
    %add3A_60 = arith.addi %mul3A_2, %add3A_59 : i32
    %add3A_61 = arith.constant 8 : i32
    %add3A_62 = arith.addi %add3A_60, %add3A_61 : i32
    %mul3A_63 = arith.constant 8192 : i32
    %mul3A_64 = arith.muli %add3A_62, %mul3A_63 : i32
    %add3A_65 = arith.constant 0 : i32
    %add3A_66 = arith.addi %mul3A_2, %add3A_65 : i32
    %add3A_67 = arith.constant 8 : i32
    %add3A_68 = arith.addi %add3A_66, %add3A_67 : i32
    %add3A_69 = arith.constant 4 : i32
    %add3A_70 = arith.addi %add3A_68, %add3A_69 : i32
    %mul3A_71 = arith.constant 8192 : i32
    %mul3A_72 = arith.muli %add3A_70, %mul3A_71 : i32
    %dma_start3A_73 = tpu.memref_slice %arg4[%mul3A_64] : memref<33554432xf32, #tpu.memory_space<hbm>> -> memref<32768xf32, #tpu.memory_space<hbm>>
    %dma_start3A_74 = tpu.memref_slice %arg4[%mul3A_64] : memref<33554432xf32, #tpu.memory_space<hbm>> -> memref<32768xf32, #tpu.memory_space<hbm>>
    tpu.enqueue_dma source(%arg6 : memref<32768xf32, #tpu.memory_space<vmem>>) target(%dma_start3A_74 : memref<32768xf32, #tpu.memory_space<hbm>>) target_semaphore(%arg8 : memref<!tpu.dma_semaphore, #tpu.memory_space<semaphore_mem>>)
    %dma_start3A_75 = tpu.memref_slice %arg4[%mul3A_72] : memref<33554432xf32, #tpu.memory_space<hbm>> -> memref<32768xf32, #tpu.memory_space<hbm>>
    %dma_start3A_76 = tpu.memref_slice %arg4[%mul3A_72] : memref<33554432xf32, #tpu.memory_space<hbm>> -> memref<32768xf32, #tpu.memory_space<hbm>>
    tpu.enqueue_dma source(%arg7 : memref<32768xf32, #tpu.memory_space<vmem>>) target(%dma_start3A_76 : memref<32768xf32, #tpu.memory_space<hbm>>) target_semaphore(%arg9 : memref<!tpu.dma_semaphore, #tpu.memory_space<semaphore_mem>>)
    %dma_wait3A_77 = tpu.memref_slice %arg4[%mul3A_64] : memref<33554432xf32, #tpu.memory_space<hbm>> -> memref<32768xf32, #tpu.memory_space<hbm>>
    %dma_wait3A_78 = tpu.memref_slice %arg4[%mul3A_64] : memref<33554432xf32, #tpu.memory_space<hbm>> -> memref<32768xf32, #tpu.memory_space<hbm>>
    tpu.wait_dma2 semaphore(%arg8 : memref<!tpu.dma_semaphore, #tpu.memory_space<semaphore_mem>>) src(%arg6 : memref<32768xf32, #tpu.memory_space<vmem>>) dst(%dma_wait3A_78 : memref<32768xf32, #tpu.memory_space<hbm>>)
    %dma_wait3A_79 = tpu.memref_slice %arg4[%mul3A_72] : memref<33554432xf32, #tpu.memory_space<hbm>> -> memref<32768xf32, #tpu.memory_space<hbm>>
    %dma_wait3A_80 = tpu.memref_slice %arg4[%mul3A_72] : memref<33554432xf32, #tpu.memory_space<hbm>> -> memref<32768xf32, #tpu.memory_space<hbm>>
    tpu.wait_dma2 semaphore(%arg9 : memref<!tpu.dma_semaphore, #tpu.memory_space<semaphore_mem>>) src(%arg7 : memref<32768xf32, #tpu.memory_space<vmem>>) dst(%dma_wait3A_80 : memref<32768xf32, #tpu.memory_space<hbm>>)
    tpu.vector_store_idx %arg6[%add3A_12], %broadcast_in_dim3A_5 masked %and3A_51 : memref<32768xf32, #tpu.memory_space<vmem>>[vector<16xi32>], vector<16xf32>, vector<16xi1>
    tpu.vector_store_idx %arg7[%add3A_12], %broadcast_in_dim3A_5 masked %and3A_58 : memref<32768xf32, #tpu.memory_space<vmem>>[vector<16xi32>], vector<16xf32>, vector<16xi1>
    %get3A_81 = arith.constant 16 : index
    %get3A_82 = tpu.vector_load %arg5[%get3A_81] {strides = array<i32>} : memref<128xi32, #tpu.memory_space<vmem>>, vector<16xi32>,
    %add3A_83 = arith.addi %mul3A_10, %get3A_82 : vector<16xi32>
    %ge3A_84 = arith.constant 0 : i32
    %ge3A_85 = vector.broadcast %ge3A_84 : i32 to vector<16xi32>
    %ge3A_86 = arith.cmpi sge, %iota3A, %ge3A_85 : vector<16xi32>
    %lt3A_87 = arith.constant 4 : i32
    %lt3A_88 = vector.broadcast %lt3A_87 : i32 to vector<16xi32>
    %lt3A_89 = arith.cmpi slt, %iota3A, %lt3A_88 : vector<16xi32>
    %and3A_90 = arith.andi %ge3A_86, %lt3A_89 : vector<16xi1>
    %ge3A_91 = arith.constant 4 : i32
    %ge3A_92 = vector.broadcast %ge3A_91 : i32 to vector<16xi32>
    %ge3A_93 = arith.cmpi sge, %iota3A, %ge3A_92 : vector<16xi32>
    %lt3A_94 = arith.constant 8 : i32
    %lt3A_95 = vector.broadcast %lt3A_94 : i32 to vector<16xi32>
    %lt3A_96 = arith.cmpi slt, %iota3A, %lt3A_95 : vector<16xi32>
    %and3A_97 = arith.andi %ge3A_93, %lt3A_96 : vector<16xi1>
    tpu.vector_store_idx %arg6[%add3A_83], %broadcast_in_dim3A_3 masked %and3A_90 : memref<32768xf32, #tpu.memory_space<vmem>>[vector<16xi32>], vector<16xf32>, vector<16xi1>
    tpu.vector_store_idx %arg7[%add3A_83], %broadcast_in_dim3A_3 masked %and3A_97 : memref<32768xf32, #tpu.memory_space<vmem>>[vector<16xi32>], vector<16xf32>, vector<16xi1>
    %add3A_98 = arith.constant 16 : i32
    %add3A_99 = arith.addi %mul3A_2, %add3A_98 : i32
    %add3A_100 = arith.constant 0 : i32
    %add3A_101 = arith.addi %add3A_99, %add3A_100 : i32
    %mul3A_102 = arith.constant 8192 : i32
    %mul3A_103 = arith.muli %add3A_101, %mul3A_102 : i32
    %add3A_104 = arith.constant 16 : i32
    %add3A_105 = arith.addi %mul3A_2, %add3A_104 : i32
    %add3A_106 = arith.constant 0 : i32
    %add3A_107 = arith.addi %add3A_105, %add3A_106 : i32
    %add3A_108 = arith.constant 4 : i32
    %add3A_109 = arith.addi %add3A_107, %add3A_108 : i32
    %mul3A_110 = arith.constant 8192 : i32
    %mul3A_111 = arith.muli %add3A_109, %mul3A_110 : i32
    %dma_start3A_112 = tpu.memref_slice %arg4[%mul3A_103] : memref<33554432xf32, #tpu.memory_space<hbm>> -> memref<32768xf32, #tpu.memory_space<hbm>>
    %dma_start3A_113 = tpu.memref_slice %arg4[%mul3A_103] : memref<33554432xf32, #tpu.memory_space<hbm>> -> memref<32768xf32, #tpu.memory_space<hbm>>
    tpu.enqueue_dma source(%arg6 : memref<32768xf32, #tpu.memory_space<vmem>>) target(%dma_start3A_113 : memref<32768xf32, #tpu.memory_space<hbm>>) target_semaphore(%arg8 : memref<!tpu.dma_semaphore, #tpu.memory_space<semaphore_mem>>)
    %dma_start3A_114 = tpu.memref_slice %arg4[%mul3A_111] : memref<33554432xf32, #tpu.memory_space<hbm>> -> memref<32768xf32, #tpu.memory_space<hbm>>
    %dma_start3A_115 = tpu.memref_slice %arg4[%mul3A_111] : memref<33554432xf32, #tpu.memory_space<hbm>> -> memref<32768xf32, #tpu.memory_space<hbm>>
    tpu.enqueue_dma source(%arg7 : memref<32768xf32, #tpu.memory_space<vmem>>) target(%dma_start3A_115 : memref<32768xf32, #tpu.memory_space<hbm>>) target_semaphore(%arg9 : memref<!tpu.dma_semaphore, #tpu.memory_space<semaphore_mem>>)
    %dma_wait3A_116 = tpu.memref_slice %arg4[%mul3A_103] : memref<33554432xf32, #tpu.memory_space<hbm>> -> memref<32768xf32, #tpu.memory_space<hbm>>
    %dma_wait3A_117 = tpu.memref_slice %arg4[%mul3A_103] : memref<33554432xf32, #tpu.memory_space<hbm>> -> memref<32768xf32, #tpu.memory_space<hbm>>
    tpu.wait_dma2 semaphore(%arg8 : memref<!tpu.dma_semaphore, #tpu.memory_space<semaphore_mem>>) src(%arg6 : memref<32768xf32, #tpu.memory_space<vmem>>) dst(%dma_wait3A_117 : memref<32768xf32, #tpu.memory_space<hbm>>)
    %dma_wait3A_118 = tpu.memref_slice %arg4[%mul3A_111] : memref<33554432xf32, #tpu.memory_space<hbm>> -> memref<32768xf32, #tpu.memory_space<hbm>>
    %dma_wait3A_119 = tpu.memref_slice %arg4[%mul3A_111] : memref<33554432xf32, #tpu.memory_space<hbm>> -> memref<32768xf32, #tpu.memory_space<hbm>>
    tpu.wait_dma2 semaphore(%arg9 : memref<!tpu.dma_semaphore, #tpu.memory_space<semaphore_mem>>) src(%arg7 : memref<32768xf32, #tpu.memory_space<vmem>>) dst(%dma_wait3A_119 : memref<32768xf32, #tpu.memory_space<hbm>>)
    tpu.vector_store_idx %arg6[%add3A_83], %broadcast_in_dim3A_5 masked %and3A_90 : memref<32768xf32, #tpu.memory_space<vmem>>[vector<16xi32>], vector<16xf32>, vector<16xi1>
    tpu.vector_store_idx %arg7[%add3A_83], %broadcast_in_dim3A_5 masked %and3A_97 : memref<32768xf32, #tpu.memory_space<vmem>>[vector<16xi32>], vector<16xf32>, vector<16xi1>
    %ge3A_120 = arith.constant 8 : i32
    %ge3A_121 = vector.broadcast %ge3A_120 : i32 to vector<16xi32>
    %ge3A_122 = arith.cmpi sge, %iota3A, %ge3A_121 : vector<16xi32>
    %lt3A_123 = arith.constant 12 : i32
    %lt3A_124 = vector.broadcast %lt3A_123 : i32 to vector<16xi32>
    %lt3A_125 = arith.cmpi slt, %iota3A, %lt3A_124 : vector<16xi32>
    %and3A_126 = arith.andi %ge3A_122, %lt3A_125 : vector<16xi1>
    %ge3A_127 = arith.constant 12 : i32
    %ge3A_128 = vector.broadcast %ge3A_127 : i32 to vector<16xi32>
    %ge3A_129 = arith.cmpi sge, %iota3A, %ge3A_128 : vector<16xi32>
    %lt3A_130 = arith.constant 16 : i32
    %lt3A_131 = vector.broadcast %lt3A_130 : i32 to vector<16xi32>
    %lt3A_132 = arith.cmpi slt, %iota3A, %lt3A_131 : vector<16xi32>
    %and3A_133 = arith.andi %ge3A_129, %lt3A_132 : vector<16xi1>
    tpu.vector_store_idx %arg6[%add3A_83], %broadcast_in_dim3A_3 masked %and3A_126 : memref<32768xf32, #tpu.memory_space<vmem>>[vector<16xi32>], vector<16xf32>, vector<16xi1>
    tpu.vector_store_idx %arg7[%add3A_83], %broadcast_in_dim3A_3 masked %and3A_133 : memref<32768xf32, #tpu.memory_space<vmem>>[vector<16xi32>], vector<16xf32>, vector<16xi1>
    %add3A_134 = arith.constant 16 : i32
    %add3A_135 = arith.addi %mul3A_2, %add3A_134 : i32
    %add3A_136 = arith.constant 8 : i32
    %add3A_137 = arith.addi %add3A_135, %add3A_136 : i32
    %mul3A_138 = arith.constant 8192 : i32
    %mul3A_139 = arith.muli %add3A_137, %mul3A_138 : i32
    %add3A_140 = arith.constant 16 : i32
    %add3A_141 = arith.addi %mul3A_2, %add3A_140 : i32
    %add3A_142 = arith.constant 8 : i32
    %add3A_143 = arith.addi %add3A_141, %add3A_142 : i32
    %add3A_144 = arith.constant 4 : i32
    %add3A_145 = arith.addi %add3A_143, %add3A_144 : i32
    %mul3A_146 = arith.constant 8192 : i32
    %mul3A_147 = arith.muli %add3A_145, %mul3A_146 : i32
    %dma_start3A_148 = tpu.memref_slice %arg4[%mul3A_139] : memref<33554432xf32, #tpu.memory_space<hbm>> -> memref<32768xf32, #tpu.memory_space<hbm>>
    %dma_start3A_149 = tpu.memref_slice %arg4[%mul3A_139] : memref<33554432xf32, #tpu.memory_space<hbm>> -> memref<32768xf32, #tpu.memory_space<hbm>>
    tpu.enqueue_dma source(%arg6 : memref<32768xf32, #tpu.memory_space<vmem>>) target(%dma_start3A_149 : memref<32768xf32, #tpu.memory_space<hbm>>) target_semaphore(%arg8 : memref<!tpu.dma_semaphore, #tpu.memory_space<semaphore_mem>>)
    %dma_start3A_150 = tpu.memref_slice %arg4[%mul3A_147] : memref<33554432xf32, #tpu.memory_space<hbm>> -> memref<32768xf32, #tpu.memory_space<hbm>>
    %dma_start3A_151 = tpu.memref_slice %arg4[%mul3A_147] : memref<33554432xf32, #tpu.memory_space<hbm>> -> memref<32768xf32, #tpu.memory_space<hbm>>
    tpu.enqueue_dma source(%arg7 : memref<32768xf32, #tpu.memory_space<vmem>>) target(%dma_start3A_151 : memref<32768xf32, #tpu.memory_space<hbm>>) target_semaphore(%arg9 : memref<!tpu.dma_semaphore, #tpu.memory_space<semaphore_mem>>)
    %dma_wait3A_152 = tpu.memref_slice %arg4[%mul3A_139] : memref<33554432xf32, #tpu.memory_space<hbm>> -> memref<32768xf32, #tpu.memory_space<hbm>>
    %dma_wait3A_153 = tpu.memref_slice %arg4[%mul3A_139] : memref<33554432xf32, #tpu.memory_space<hbm>> -> memref<32768xf32, #tpu.memory_space<hbm>>
    tpu.wait_dma2 semaphore(%arg8 : memref<!tpu.dma_semaphore, #tpu.memory_space<semaphore_mem>>) src(%arg6 : memref<32768xf32, #tpu.memory_space<vmem>>) dst(%dma_wait3A_153 : memref<32768xf32, #tpu.memory_space<hbm>>)
    %dma_wait3A_154 = tpu.memref_slice %arg4[%mul3A_147] : memref<33554432xf32, #tpu.memory_space<hbm>> -> memref<32768xf32, #tpu.memory_space<hbm>>
    %dma_wait3A_155 = tpu.memref_slice %arg4[%mul3A_147] : memref<33554432xf32, #tpu.memory_space<hbm>> -> memref<32768xf32, #tpu.memory_space<hbm>>
    tpu.wait_dma2 semaphore(%arg9 : memref<!tpu.dma_semaphore, #tpu.memory_space<semaphore_mem>>) src(%arg7 : memref<32768xf32, #tpu.memory_space<vmem>>) dst(%dma_wait3A_155 : memref<32768xf32, #tpu.memory_space<hbm>>)
    tpu.vector_store_idx %arg6[%add3A_83], %broadcast_in_dim3A_5 masked %and3A_126 : memref<32768xf32, #tpu.memory_space<vmem>>[vector<16xi32>], vector<16xf32>, vector<16xi1>
    tpu.vector_store_idx %arg7[%add3A_83], %broadcast_in_dim3A_5 masked %and3A_133 : memref<32768xf32, #tpu.memory_space<vmem>>[vector<16xi32>], vector<16xf32>, vector<16xi1>
    %get3A_156 = arith.constant 32 : index
    %get3A_157 = tpu.vector_load %arg5[%get3A_156] {strides = array<i32>} : memref<128xi32, #tpu.memory_space<vmem>>, vector<16xi32>,
    %add3A_158 = arith.addi %mul3A_10, %get3A_157 : vector<16xi32>
    %ge3A_159 = arith.constant 0 : i32
    %ge3A_160 = vector.broadcast %ge3A_159 : i32 to vector<16xi32>
    %ge3A_161 = arith.cmpi sge, %iota3A, %ge3A_160 : vector<16xi32>
    %lt3A_162 = arith.constant 4 : i32
    %lt3A_163 = vector.broadcast %lt3A_162 : i32 to vector<16xi32>
    %lt3A_164 = arith.cmpi slt, %iota3A, %lt3A_163 : vector<16xi32>
    %and3A_165 = arith.andi %ge3A_161, %lt3A_164 : vector<16xi1>
    %ge3A_166 = arith.constant 4 : i32
    %ge3A_167 = vector.broadcast %ge3A_166 : i32 to vector<16xi32>
    %ge3A_168 = arith.cmpi sge, %iota3A, %ge3A_167 : vector<16xi32>
    %lt3A_169 = arith.constant 8 : i32
    %lt3A_170 = vector.broadcast %lt3A_169 : i32 to vector<16xi32>
    %lt3A_171 = arith.cmpi slt, %iota3A, %lt3A_170 : vector<16xi32>
    %and3A_172 = arith.andi %ge3A_168, %lt3A_171 : vector<16xi1>
    tpu.vector_store_idx %arg6[%add3A_158], %broadcast_in_dim3A_3 masked %and3A_165 : memref<32768xf32, #tpu.memory_space<vmem>>[vector<16xi32>], vector<16xf32>, vector<16xi1>
    tpu.vector_store_idx %arg7[%add3A_158], %broadcast_in_dim3A_3 masked %and3A_172 : memref<32768xf32, #tpu.memory_space<vmem>>[vector<16xi32>], vector<16xf32>, vector<16xi1>
    %add3A_173 = arith.constant 32 : i32
    %add3A_174 = arith.addi %mul3A_2, %add3A_173 : i32
    %add3A_175 = arith.constant 0 : i32
    %add3A_176 = arith.addi %add3A_174, %add3A_175 : i32
    %mul3A_177 = arith.constant 8192 : i32
    %mul3A_178 = arith.muli %add3A_176, %mul3A_177 : i32
    %add3A_179 = arith.constant 32 : i32
    %add3A_180 = arith.addi %mul3A_2, %add3A_179 : i32
    %add3A_181 = arith.constant 0 : i32
    %add3A_182 = arith.addi %add3A_180, %add3A_181 : i32
    %add3A_183 = arith.constant 4 : i32
    %add3A_184 = arith.addi %add3A_182, %add3A_183 : i32
    %mul3A_185 = arith.constant 8192 : i32
    %mul3A_186 = arith.muli %add3A_184, %mul3A_185 : i32
    %dma_start3A_187 = tpu.memref_slice %arg4[%mul3A_178] : memref<33554432xf32, #tpu.memory_space<hbm>> -> memref<32768xf32, #tpu.memory_space<hbm>>
    %dma_start3A_188 = tpu.memref_slice %arg4[%mul3A_178] : memref<33554432xf32, #tpu.memory_space<hbm>> -> memref<32768xf32, #tpu.memory_space<hbm>>
    tpu.enqueue_dma source(%arg6 : memref<32768xf32, #tpu.memory_space<vmem>>) target(%dma_start3A_188 : memref<32768xf32, #tpu.memory_space<hbm>>) target_semaphore(%arg8 : memref<!tpu.dma_semaphore, #tpu.memory_space<semaphore_mem>>)
    %dma_start3A_189 = tpu.memref_slice %arg4[%mul3A_186] : memref<33554432xf32, #tpu.memory_space<hbm>> -> memref<32768xf32, #tpu.memory_space<hbm>>
    %dma_start3A_190 = tpu.memref_slice %arg4[%mul3A_186] : memref<33554432xf32, #tpu.memory_space<hbm>> -> memref<32768xf32, #tpu.memory_space<hbm>>
    tpu.enqueue_dma source(%arg7 : memref<32768xf32, #tpu.memory_space<vmem>>) target(%dma_start3A_190 : memref<32768xf32, #tpu.memory_space<hbm>>) target_semaphore(%arg9 : memref<!tpu.dma_semaphore, #tpu.memory_space<semaphore_mem>>)
    %dma_wait3A_191 = tpu.memref_slice %arg4[%mul3A_178] : memref<33554432xf32, #tpu.memory_space<hbm>> -> memref<32768xf32, #tpu.memory_space<hbm>>
    %dma_wait3A_192 = tpu.memref_slice %arg4[%mul3A_178] : memref<33554432xf32, #tpu.memory_space<hbm>> -> memref<32768xf32, #tpu.memory_space<hbm>>
    tpu.wait_dma2 semaphore(%arg8 : memref<!tpu.dma_semaphore, #tpu.memory_space<semaphore_mem>>) src(%arg6 : memref<32768xf32, #tpu.memory_space<vmem>>) dst(%dma_wait3A_192 : memref<32768xf32, #tpu.memory_space<hbm>>)
    %dma_wait3A_193 = tpu.memref_slice %arg4[%mul3A_186] : memref<33554432xf32, #tpu.memory_space<hbm>> -> memref<32768xf32, #tpu.memory_space<hbm>>
    %dma_wait3A_194 = tpu.memref_slice %arg4[%mul3A_186] : memref<33554432xf32, #tpu.memory_space<hbm>> -> memref<32768xf32, #tpu.memory_space<hbm>>
    tpu.wait_dma2 semaphore(%arg9 : memref<!tpu.dma_semaphore, #tpu.memory_space<semaphore_mem>>) src(%arg7 : memref<32768xf32, #tpu.memory_space<vmem>>) dst(%dma_wait3A_194 : memref<32768xf32, #tpu.memory_space<hbm>>)
    tpu.vector_store_idx %arg6[%add3A_158], %broadcast_in_dim3A_5 masked %and3A_165 : memref<32768xf32, #tpu.memory_space<vmem>>[vector<16xi32>], vector<16xf32>, vector<16xi1>
    tpu.vector_store_idx %arg7[%add3A_158], %broadcast_in_dim3A_5 masked %and3A_172 : memref<32768xf32, #tpu.memory_space<vmem>>[vector<16xi32>], vector<16xf32>, vector<16xi1>
    %ge3A_195 = arith.constant 8 : i32
    %ge3A_196 = vector.broadcast %ge3A_195 : i32 to vector<16xi32>
    %ge3A_197 = arith.cmpi sge, %iota3A, %ge3A_196 : vector<16xi32>
    %lt3A_198 = arith.constant 12 : i32
    %lt3A_199 = vector.broadcast %lt3A_198 : i32 to vector<16xi32>
    %lt3A_200 = arith.cmpi slt, %iota3A, %lt3A_199 : vector<16xi32>
    %and3A_201 = arith.andi %ge3A_197, %lt3A_200 : vector<16xi1>
    %ge3A_202 = arith.constant 12 : i32
    %ge3A_203 = vector.broadcast %ge3A_202 : i32 to vector<16xi32>
    %ge3A_204 = arith.cmpi sge, %iota3A, %ge3A_203 : vector<16xi32>
    %lt3A_205 = arith.constant 16 : i32
    %lt3A_206 = vector.broadcast %lt3A_205 : i32 to vector<16xi32>
    %lt3A_207 = arith.cmpi slt, %iota3A, %lt3A_206 : vector<16xi32>
    %and3A_208 = arith.andi %ge3A_204, %lt3A_207 : vector<16xi1>
    tpu.vector_store_idx %arg6[%add3A_158], %broadcast_in_dim3A_3 masked %and3A_201 : memref<32768xf32, #tpu.memory_space<vmem>>[vector<16xi32>], vector<16xf32>, vector<16xi1>
    tpu.vector_store_idx %arg7[%add3A_158], %broadcast_in_dim3A_3 masked %and3A_208 : memref<32768xf32, #tpu.memory_space<vmem>>[vector<16xi32>], vector<16xf32>, vector<16xi1>
    %add3A_209 = arith.constant 32 : i32
    %add3A_210 = arith.addi %mul3A_2, %add3A_209 : i32
    %add3A_211 = arith.constant 8 : i32
    %add3A_212 = arith.addi %add3A_210, %add3A_211 : i32
    %mul3A_213 = arith.constant 8192 : i32
    %mul3A_214 = arith.muli %add3A_212, %mul3A_213 : i32
    %add3A_215 = arith.constant 32 : i32
    %add3A_216 = arith.addi %mul3A_2, %add3A_215 : i32
    %add3A_217 = arith.constant 8 : i32
    %add3A_218 = arith.addi %add3A_216, %add3A_217 : i32
    %add3A_219 = arith.constant 4 : i32
    %add3A_220 = arith.addi %add3A_218, %add3A_219 : i32
    %mul3A_221 = arith.constant 8192 : i32
    %mul3A_222 = arith.muli %add3A_220, %mul3A_221 : i32
    %dma_start3A_223 = tpu.memref_slice %arg4[%mul3A_214] : memref<33554432xf32, #tpu.memory_space<hbm>> -> memref<32768xf32, #tpu.memory_space<hbm>>
    %dma_start3A_224 = tpu.memref_slice %arg4[%mul3A_214] : memref<33554432xf32, #tpu.memory_space<hbm>> -> memref<32768xf32, #tpu.memory_space<hbm>>
    tpu.enqueue_dma source(%arg6 : memref<32768xf32, #tpu.memory_space<vmem>>) target(%dma_start3A_224 : memref<32768xf32, #tpu.memory_space<hbm>>) target_semaphore(%arg8 : memref<!tpu.dma_semaphore, #tpu.memory_space<semaphore_mem>>)
    %dma_start3A_225 = tpu.memref_slice %arg4[%mul3A_222] : memref<33554432xf32, #tpu.memory_space<hbm>> -> memref<32768xf32, #tpu.memory_space<hbm>>
    %dma_start3A_226 = tpu.memref_slice %arg4[%mul3A_222] : memref<33554432xf32, #tpu.memory_space<hbm>> -> memref<32768xf32, #tpu.memory_space<hbm>>
    tpu.enqueue_dma source(%arg7 : memref<32768xf32, #tpu.memory_space<vmem>>) target(%dma_start3A_226 : memref<32768xf32, #tpu.memory_space<hbm>>) target_semaphore(%arg9 : memref<!tpu.dma_semaphore, #tpu.memory_space<semaphore_mem>>)
    %dma_wait3A_227 = tpu.memref_slice %arg4[%mul3A_214] : memref<33554432xf32, #tpu.memory_space<hbm>> -> memref<32768xf32, #tpu.memory_space<hbm>>
    %dma_wait3A_228 = tpu.memref_slice %arg4[%mul3A_214] : memref<33554432xf32, #tpu.memory_space<hbm>> -> memref<32768xf32, #tpu.memory_space<hbm>>
    tpu.wait_dma2 semaphore(%arg8 : memref<!tpu.dma_semaphore, #tpu.memory_space<semaphore_mem>>) src(%arg6 : memref<32768xf32, #tpu.memory_space<vmem>>) dst(%dma_wait3A_228 : memref<32768xf32, #tpu.memory_space<hbm>>)
    %dma_wait3A_229 = tpu.memref_slice %arg4[%mul3A_222] : memref<33554432xf32, #tpu.memory_space<hbm>> -> memref<32768xf32, #tpu.memory_space<hbm>>
    %dma_wait3A_230 = tpu.memref_slice %arg4[%mul3A_222] : memref<33554432xf32, #tpu.memory_space<hbm>> -> memref<32768xf32, #tpu.memory_space<hbm>>
    tpu.wait_dma2 semaphore(%arg9 : memref<!tpu.dma_semaphore, #tpu.memory_space<semaphore_mem>>) src(%arg7 : memref<32768xf32, #tpu.memory_space<vmem>>) dst(%dma_wait3A_230 : memref<32768xf32, #tpu.memory_space<hbm>>)
    tpu.vector_store_idx %arg6[%add3A_158], %broadcast_in_dim3A_5 masked %and3A_201 : memref<32768xf32, #tpu.memory_space<vmem>>[vector<16xi32>], vector<16xf32>, vector<16xi1>
    tpu.vector_store_idx %arg7[%add3A_158], %broadcast_in_dim3A_5 masked %and3A_208 : memref<32768xf32, #tpu.memory_space<vmem>>[vector<16xi32>], vector<16xf32>, vector<16xi1>
    %get3A_231 = arith.constant 48 : index
    %get3A_232 = tpu.vector_load %arg5[%get3A_231] {strides = array<i32>} : memref<128xi32, #tpu.memory_space<vmem>>, vector<16xi32>,
    %add3A_233 = arith.addi %mul3A_10, %get3A_232 : vector<16xi32>
    %ge3A_234 = arith.constant 0 : i32
    %ge3A_235 = vector.broadcast %ge3A_234 : i32 to vector<16xi32>
    %ge3A_236 = arith.cmpi sge, %iota3A, %ge3A_235 : vector<16xi32>
    %lt3A_237 = arith.constant 4 : i32
    %lt3A_238 = vector.broadcast %lt3A_237 : i32 to vector<16xi32>
    %lt3A_239 = arith.cmpi slt, %iota3A, %lt3A_238 : vector<16xi32>
    %and3A_240 = arith.andi %ge3A_236, %lt3A_239 : vector<16xi1>
    %ge3A_241 = arith.constant 4 : i32
    %ge3A_242 = vector.broadcast %ge3A_241 : i32 to vector<16xi32>
    %ge3A_243 = arith.cmpi sge, %iota3A, %ge3A_242 : vector<16xi32>
    %lt3A_244 = arith.constant 8 : i32
    %lt3A_245 = vector.broadcast %lt3A_244 : i32 to vector<16xi32>
    %lt3A_246 = arith.cmpi slt, %iota3A, %lt3A_245 : vector<16xi32>
    %and3A_247 = arith.andi %ge3A_243, %lt3A_246 : vector<16xi1>
    tpu.vector_store_idx %arg6[%add3A_233], %broadcast_in_dim3A_3 masked %and3A_240 : memref<32768xf32, #tpu.memory_space<vmem>>[vector<16xi32>], vector<16xf32>, vector<16xi1>
    tpu.vector_store_idx %arg7[%add3A_233], %broadcast_in_dim3A_3 masked %and3A_247 : memref<32768xf32, #tpu.memory_space<vmem>>[vector<16xi32>], vector<16xf32>, vector<16xi1>
    %add3A_248 = arith.constant 48 : i32
    %add3A_249 = arith.addi %mul3A_2, %add3A_248 : i32
    %add3A_250 = arith.constant 0 : i32
    %add3A_251 = arith.addi %add3A_249, %add3A_250 : i32
    %mul3A_252 = arith.constant 8192 : i32
    %mul3A_253 = arith.muli %add3A_251, %mul3A_252 : i32
    %add3A_254 = arith.constant 48 : i32
    %add3A_255 = arith.addi %mul3A_2, %add3A_254 : i32
    %add3A_256 = arith.constant 0 : i32
    %add3A_257 = arith.addi %add3A_255, %add3A_256 : i32
    %add3A_258 = arith.constant 4 : i32
    %add3A_259 = arith.addi %add3A_257, %add3A_258 : i32
    %mul3A_260 = arith.constant 8192 : i32
    %mul3A_261 = arith.muli %add3A_259, %mul3A_260 : i32
    %dma_start3A_262 = tpu.memref_slice %arg4[%mul3A_253] : memref<33554432xf32, #tpu.memory_space<hbm>> -> memref<32768xf32, #tpu.memory_space<hbm>>
    %dma_start3A_263 = tpu.memref_slice %arg4[%mul3A_253] : memref<33554432xf32, #tpu.memory_space<hbm>> -> memref<32768xf32, #tpu.memory_space<hbm>>
    tpu.enqueue_dma source(%arg6 : memref<32768xf32, #tpu.memory_space<vmem>>) target(%dma_start3A_263 : memref<32768xf32, #tpu.memory_space<hbm>>) target_semaphore(%arg8 : memref<!tpu.dma_semaphore, #tpu.memory_space<semaphore_mem>>)
    %dma_start3A_264 = tpu.memref_slice %arg4[%mul3A_261] : memref<33554432xf32, #tpu.memory_space<hbm>> -> memref<32768xf32, #tpu.memory_space<hbm>>
    %dma_start3A_265 = tpu.memref_slice %arg4[%mul3A_261] : memref<33554432xf32, #tpu.memory_space<hbm>> -> memref<32768xf32, #tpu.memory_space<hbm>>
    tpu.enqueue_dma source(%arg7 : memref<32768xf32, #tpu.memory_space<vmem>>) target(%dma_start3A_265 : memref<32768xf32, #tpu.memory_space<hbm>>) target_semaphore(%arg9 : memref<!tpu.dma_semaphore, #tpu.memory_space<semaphore_mem>>)
    %dma_wait3A_266 = tpu.memref_slice %arg4[%mul3A_253] : memref<33554432xf32, #tpu.memory_space<hbm>> -> memref<32768xf32, #tpu.memory_space<hbm>>
    %dma_wait3A_267 = tpu.memref_slice %arg4[%mul3A_253] : memref<33554432xf32, #tpu.memory_space<hbm>> -> memref<32768xf32, #tpu.memory_space<hbm>>
    tpu.wait_dma2 semaphore(%arg8 : memref<!tpu.dma_semaphore, #tpu.memory_space<semaphore_mem>>) src(%arg6 : memref<32768xf32, #tpu.memory_space<vmem>>) dst(%dma_wait3A_267 : memref<32768xf32, #tpu.memory_space<hbm>>)
    %dma_wait3A_268 = tpu.memref_slice %arg4[%mul3A_261] : memref<33554432xf32, #tpu.memory_space<hbm>> -> memref<32768xf32, #tpu.memory_space<hbm>>
    %dma_wait3A_269 = tpu.memref_slice %arg4[%mul3A_261] : memref<33554432xf32, #tpu.memory_space<hbm>> -> memref<32768xf32, #tpu.memory_space<hbm>>
    tpu.wait_dma2 semaphore(%arg9 : memref<!tpu.dma_semaphore, #tpu.memory_space<semaphore_mem>>) src(%arg7 : memref<32768xf32, #tpu.memory_space<vmem>>) dst(%dma_wait3A_269 : memref<32768xf32, #tpu.memory_space<hbm>>)
    tpu.vector_store_idx %arg6[%add3A_233], %broadcast_in_dim3A_5 masked %and3A_240 : memref<32768xf32, #tpu.memory_space<vmem>>[vector<16xi32>], vector<16xf32>, vector<16xi1>
    tpu.vector_store_idx %arg7[%add3A_233], %broadcast_in_dim3A_5 masked %and3A_247 : memref<32768xf32, #tpu.memory_space<vmem>>[vector<16xi32>], vector<16xf32>, vector<16xi1>
    %ge3A_270 = arith.constant 8 : i32
    %ge3A_271 = vector.broadcast %ge3A_270 : i32 to vector<16xi32>
    %ge3A_272 = arith.cmpi sge, %iota3A, %ge3A_271 : vector<16xi32>
    %lt3A_273 = arith.constant 12 : i32
    %lt3A_274 = vector.broadcast %lt3A_273 : i32 to vector<16xi32>
    %lt3A_275 = arith.cmpi slt, %iota3A, %lt3A_274 : vector<16xi32>
    %and3A_276 = arith.andi %ge3A_272, %lt3A_275 : vector<16xi1>
    %ge3A_277 = arith.constant 12 : i32
    %ge3A_278 = vector.broadcast %ge3A_277 : i32 to vector<16xi32>
    %ge3A_279 = arith.cmpi sge, %iota3A, %ge3A_278 : vector<16xi32>
    %lt3A_280 = arith.constant 16 : i32
    %lt3A_281 = vector.broadcast %lt3A_280 : i32 to vector<16xi32>
    %lt3A_282 = arith.cmpi slt, %iota3A, %lt3A_281 : vector<16xi32>
    %and3A_283 = arith.andi %ge3A_279, %lt3A_282 : vector<16xi1>
    tpu.vector_store_idx %arg6[%add3A_233], %broadcast_in_dim3A_3 masked %and3A_276 : memref<32768xf32, #tpu.memory_space<vmem>>[vector<16xi32>], vector<16xf32>, vector<16xi1>
    tpu.vector_store_idx %arg7[%add3A_233], %broadcast_in_dim3A_3 masked %and3A_283 : memref<32768xf32, #tpu.memory_space<vmem>>[vector<16xi32>], vector<16xf32>, vector<16xi1>
    %add3A_284 = arith.constant 48 : i32
    %add3A_285 = arith.addi %mul3A_2, %add3A_284 : i32
    %add3A_286 = arith.constant 8 : i32
    %add3A_287 = arith.addi %add3A_285, %add3A_286 : i32
    %mul3A_288 = arith.constant 8192 : i32
    %mul3A_289 = arith.muli %add3A_287, %mul3A_288 : i32
    %add3A_290 = arith.constant 48 : i32
    %add3A_291 = arith.addi %mul3A_2, %add3A_290 : i32
    %add3A_292 = arith.constant 8 : i32
    %add3A_293 = arith.addi %add3A_291, %add3A_292 : i32
    %add3A_294 = arith.constant 4 : i32
    %add3A_295 = arith.addi %add3A_293, %add3A_294 : i32
    %mul3A_296 = arith.constant 8192 : i32
    %mul3A_297 = arith.muli %add3A_295, %mul3A_296 : i32
    %dma_start3A_298 = tpu.memref_slice %arg4[%mul3A_289] : memref<33554432xf32, #tpu.memory_space<hbm>> -> memref<32768xf32, #tpu.memory_space<hbm>>
    %dma_start3A_299 = tpu.memref_slice %arg4[%mul3A_289] : memref<33554432xf32, #tpu.memory_space<hbm>> -> memref<32768xf32, #tpu.memory_space<hbm>>
    tpu.enqueue_dma source(%arg6 : memref<32768xf32, #tpu.memory_space<vmem>>) target(%dma_start3A_299 : memref<32768xf32, #tpu.memory_space<hbm>>) target_semaphore(%arg8 : memref<!tpu.dma_semaphore, #tpu.memory_space<semaphore_mem>>)
    %dma_start3A_300 = tpu.memref_slice %arg4[%mul3A_297] : memref<33554432xf32, #tpu.memory_space<hbm>> -> memref<32768xf32, #tpu.memory_space<hbm>>
    %dma_start3A_301 = tpu.memref_slice %arg4[%mul3A_297] : memref<33554432xf32, #tpu.memory_space<hbm>> -> memref<32768xf32, #tpu.memory_space<hbm>>
    tpu.enqueue_dma source(%arg7 : memref<32768xf32, #tpu.memory_space<vmem>>) target(%dma_start3A_301 : memref<32768xf32, #tpu.memory_space<hbm>>) target_semaphore(%arg9 : memref<!tpu.dma_semaphore, #tpu.memory_space<semaphore_mem>>)
    %dma_wait3A_302 = tpu.memref_slice %arg4[%mul3A_289] : memref<33554432xf32, #tpu.memory_space<hbm>> -> memref<32768xf32, #tpu.memory_space<hbm>>
    %dma_wait3A_303 = tpu.memref_slice %arg4[%mul3A_289] : memref<33554432xf32, #tpu.memory_space<hbm>> -> memref<32768xf32, #tpu.memory_space<hbm>>
    tpu.wait_dma2 semaphore(%arg8 : memref<!tpu.dma_semaphore, #tpu.memory_space<semaphore_mem>>) src(%arg6 : memref<32768xf32, #tpu.memory_space<vmem>>) dst(%dma_wait3A_303 : memref<32768xf32, #tpu.memory_space<hbm>>)
    %dma_wait3A_304 = tpu.memref_slice %arg4[%mul3A_297] : memref<33554432xf32, #tpu.memory_space<hbm>> -> memref<32768xf32, #tpu.memory_space<hbm>>
    %dma_wait3A_305 = tpu.memref_slice %arg4[%mul3A_297] : memref<33554432xf32, #tpu.memory_space<hbm>> -> memref<32768xf32, #tpu.memory_space<hbm>>
    tpu.wait_dma2 semaphore(%arg9 : memref<!tpu.dma_semaphore, #tpu.memory_space<semaphore_mem>>) src(%arg7 : memref<32768xf32, #tpu.memory_space<vmem>>) dst(%dma_wait3A_305 : memref<32768xf32, #tpu.memory_space<hbm>>)
    tpu.vector_store_idx %arg6[%add3A_233], %broadcast_in_dim3A_5 masked %and3A_276 : memref<32768xf32, #tpu.memory_space<vmem>>[vector<16xi32>], vector<16xf32>, vector<16xi1>
    tpu.vector_store_idx %arg7[%add3A_233], %broadcast_in_dim3A_5 masked %and3A_283 : memref<32768xf32, #tpu.memory_space<vmem>>[vector<16xi32>], vector<16xf32>, vector<16xi1>
    %get3A_306 = arith.constant 64 : index
    %get3A_307 = tpu.vector_load %arg5[%get3A_306] {strides = array<i32>} : memref<128xi32, #tpu.memory_space<vmem>>, vector<16xi32>,
    %add3A_308 = arith.addi %mul3A_10, %get3A_307 : vector<16xi32>
    %ge3A_309 = arith.constant 0 : i32
    %ge3A_310 = vector.broadcast %ge3A_309 : i32 to vector<16xi32>
    %ge3A_311 = arith.cmpi sge, %iota3A, %ge3A_310 : vector<16xi32>
    %lt3A_312 = arith.constant 4 : i32
    %lt3A_313 = vector.broadcast %lt3A_312 : i32 to vector<16xi32>
    %lt3A_314 = arith.cmpi slt, %iota3A, %lt3A_313 : vector<16xi32>
    %and3A_315 = arith.andi %ge3A_311, %lt3A_314 : vector<16xi1>
    %ge3A_316 = arith.constant 4 : i32
    %ge3A_317 = vector.broadcast %ge3A_316 : i32 to vector<16xi32>
    %ge3A_318 = arith.cmpi sge, %iota3A, %ge3A_317 : vector<16xi32>
    %lt3A_319 = arith.constant 8 : i32
    %lt3A_320 = vector.broadcast %lt3A_319 : i32 to vector<16xi32>
    %lt3A_321 = arith.cmpi slt, %iota3A, %lt3A_320 : vector<16xi32>
    %and3A_322 = arith.andi %ge3A_318, %lt3A_321 : vector<16xi1>
    tpu.vector_store_idx %arg6[%add3A_308], %broadcast_in_dim3A_3 masked %and3A_315 : memref<32768xf32, #tpu.memory_space<vmem>>[vector<16xi32>], vector<16xf32>, vector<16xi1>
    tpu.vector_store_idx %arg7[%add3A_308], %broadcast_in_dim3A_3 masked %and3A_322 : memref<32768xf32, #tpu.memory_space<vmem>>[vector<16xi32>], vector<16xf32>, vector<16xi1>
    %add3A_323 = arith.constant 64 : i32
    %add3A_324 = arith.addi %mul3A_2, %add3A_323 : i32
    %add3A_325 = arith.constant 0 : i32
    %add3A_326 = arith.addi %add3A_324, %add3A_325 : i32
    %mul3A_327 = arith.constant 8192 : i32
    %mul3A_328 = arith.muli %add3A_326, %mul3A_327 : i32
    %add3A_329 = arith.constant 64 : i32
    %add3A_330 = arith.addi %mul3A_2, %add3A_329 : i32
    %add3A_331 = arith.constant 0 : i32
    %add3A_332 = arith.addi %add3A_330, %add3A_331 : i32
    %add3A_333 = arith.constant 4 : i32
    %add3A_334 = arith.addi %add3A_332, %add3A_333 : i32
    %mul3A_335 = arith.constant 8192 : i32
    %mul3A_336 = arith.muli %add3A_334, %mul3A_335 : i32
    %dma_start3A_337 = tpu.memref_slice %arg4[%mul3A_328] : memref<33554432xf32, #tpu.memory_space<hbm>> -> memref<32768xf32, #tpu.memory_space<hbm>>
    %dma_start3A_338 = tpu.memref_slice %arg4[%mul3A_328] : memref<33554432xf32, #tpu.memory_space<hbm>> -> memref<32768xf32, #tpu.memory_space<hbm>>
    tpu.enqueue_dma source(%arg6 : memref<32768xf32, #tpu.memory_space<vmem>>) target(%dma_start3A_338 : memref<32768xf32, #tpu.memory_space<hbm>>) target_semaphore(%arg8 : memref<!tpu.dma_semaphore, #tpu.memory_space<semaphore_mem>>)
    %dma_start3A_339 = tpu.memref_slice %arg4[%mul3A_336] : memref<33554432xf32, #tpu.memory_space<hbm>> -> memref<32768xf32, #tpu.memory_space<hbm>>
    %dma_start3A_340 = tpu.memref_slice %arg4[%mul3A_336] : memref<33554432xf32, #tpu.memory_space<hbm>> -> memref<32768xf32, #tpu.memory_space<hbm>>
    tpu.enqueue_dma source(%arg7 : memref<32768xf32, #tpu.memory_space<vmem>>) target(%dma_start3A_340 : memref<32768xf32, #tpu.memory_space<hbm>>) target_semaphore(%arg9 : memref<!tpu.dma_semaphore, #tpu.memory_space<semaphore_mem>>)
    %dma_wait3A_341 = tpu.memref_slice %arg4[%mul3A_328] : memref<33554432xf32, #tpu.memory_space<hbm>> -> memref<32768xf32, #tpu.memory_space<hbm>>
    %dma_wait3A_342 = tpu.memref_slice %arg4[%mul3A_328] : memref<33554432xf32, #tpu.memory_space<hbm>> -> memref<32768xf32, #tpu.memory_space<hbm>>
    tpu.wait_dma2 semaphore(%arg8 : memref<!tpu.dma_semaphore, #tpu.memory_space<semaphore_mem>>) src(%arg6 : memref<32768xf32, #tpu.memory_space<vmem>>) dst(%dma_wait3A_342 : memref<32768xf32, #tpu.memory_space<hbm>>)
    %dma_wait3A_343 = tpu.memref_slice %arg4[%mul3A_336] : memref<33554432xf32, #tpu.memory_space<hbm>> -> memref<32768xf32, #tpu.memory_space<hbm>>
    %dma_wait3A_344 = tpu.memref_slice %arg4[%mul3A_336] : memref<33554432xf32, #tpu.memory_space<hbm>> -> memref<32768xf32, #tpu.memory_space<hbm>>
    tpu.wait_dma2 semaphore(%arg9 : memref<!tpu.dma_semaphore, #tpu.memory_space<semaphore_mem>>) src(%arg7 : memref<32768xf32, #tpu.memory_space<vmem>>) dst(%dma_wait3A_344 : memref<32768xf32, #tpu.memory_space<hbm>>)
    tpu.vector_store_idx %arg6[%add3A_308], %broadcast_in_dim3A_5 masked %and3A_315 : memref<32768xf32, #tpu.memory_space<vmem>>[vector<16xi32>], vector<16xf32>, vector<16xi1>
    tpu.vector_store_idx %arg7[%add3A_308], %broadcast_in_dim3A_5 masked %and3A_322 : memref<32768xf32, #tpu.memory_space<vmem>>[vector<16xi32>], vector<16xf32>, vector<16xi1>
    %ge3A_345 = arith.constant 8 : i32
    %ge3A_346 = vector.broadcast %ge3A_345 : i32 to vector<16xi32>
    %ge3A_347 = arith.cmpi sge, %iota3A, %ge3A_346 : vector<16xi32>
    %lt3A_348 = arith.constant 12 : i32
    %lt3A_349 = vector.broadcast %lt3A_348 : i32 to vector<16xi32>
    %lt3A_350 = arith.cmpi slt, %iota3A, %lt3A_349 : vector<16xi32>
    %and3A_351 = arith.andi %ge3A_347, %lt3A_350 : vector<16xi1>
    %ge3A_352 = arith.constant 12 : i32
    %ge3A_353 = vector.broadcast %ge3A_352 : i32 to vector<16xi32>
    %ge3A_354 = arith.cmpi sge, %iota3A, %ge3A_353 : vector<16xi32>
    %lt3A_355 = arith.constant 16 : i32
    %lt3A_356 = vector.broadcast %lt3A_355 : i32 to vector<16xi32>
    %lt3A_357 = arith.cmpi slt, %iota3A, %lt3A_356 : vector<16xi32>
    %and3A_358 = arith.andi %ge3A_354, %lt3A_357 : vector<16xi1>
    tpu.vector_store_idx %arg6[%add3A_308], %broadcast_in_dim3A_3 masked %and3A_351 : memref<32768xf32, #tpu.memory_space<vmem>>[vector<16xi32>], vector<16xf32>, vector<16xi1>
    tpu.vector_store_idx %arg7[%add3A_308], %broadcast_in_dim3A_3 masked %and3A_358 : memref<32768xf32, #tpu.memory_space<vmem>>[vector<16xi32>], vector<16xf32>, vector<16xi1>
    %add3A_359 = arith.constant 64 : i32
    %add3A_360 = arith.addi %mul3A_2, %add3A_359 : i32
    %add3A_361 = arith.constant 8 : i32
    %add3A_362 = arith.addi %add3A_360, %add3A_361 : i32
    %mul3A_363 = arith.constant 8192 : i32
    %mul3A_364 = arith.muli %add3A_362, %mul3A_363 : i32
    %add3A_365 = arith.constant 64 : i32
    %add3A_366 = arith.addi %mul3A_2, %add3A_365 : i32
    %add3A_367 = arith.constant 8 : i32
    %add3A_368 = arith.addi %add3A_366, %add3A_367 : i32
    %add3A_369 = arith.constant 4 : i32
    %add3A_370 = arith.addi %add3A_368, %add3A_369 : i32
    %mul3A_371 = arith.constant 8192 : i32
    %mul3A_372 = arith.muli %add3A_370, %mul3A_371 : i32
    %dma_start3A_373 = tpu.memref_slice %arg4[%mul3A_364] : memref<33554432xf32, #tpu.memory_space<hbm>> -> memref<32768xf32, #tpu.memory_space<hbm>>
    %dma_start3A_374 = tpu.memref_slice %arg4[%mul3A_364] : memref<33554432xf32, #tpu.memory_space<hbm>> -> memref<32768xf32, #tpu.memory_space<hbm>>
    tpu.enqueue_dma source(%arg6 : memref<32768xf32, #tpu.memory_space<vmem>>) target(%dma_start3A_374 : memref<32768xf32, #tpu.memory_space<hbm>>) target_semaphore(%arg8 : memref<!tpu.dma_semaphore, #tpu.memory_space<semaphore_mem>>)
    %dma_start3A_375 = tpu.memref_slice %arg4[%mul3A_372] : memref<33554432xf32, #tpu.memory_space<hbm>> -> memref<32768xf32, #tpu.memory_space<hbm>>
    %dma_start3A_376 = tpu.memref_slice %arg4[%mul3A_372] : memref<33554432xf32, #tpu.memory_space<hbm>> -> memref<32768xf32, #tpu.memory_space<hbm>>
    tpu.enqueue_dma source(%arg7 : memref<32768xf32, #tpu.memory_space<vmem>>) target(%dma_start3A_376 : memref<32768xf32, #tpu.memory_space<hbm>>) target_semaphore(%arg9 : memref<!tpu.dma_semaphore, #tpu.memory_space<semaphore_mem>>)
    %dma_wait3A_377 = tpu.memref_slice %arg4[%mul3A_364] : memref<33554432xf32, #tpu.memory_space<hbm>> -> memref<32768xf32, #tpu.memory_space<hbm>>
    %dma_wait3A_378 = tpu.memref_slice %arg4[%mul3A_364] : memref<33554432xf32, #tpu.memory_space<hbm>> -> memref<32768xf32, #tpu.memory_space<hbm>>
    tpu.wait_dma2 semaphore(%arg8 : memref<!tpu.dma_semaphore, #tpu.memory_space<semaphore_mem>>) src(%arg6 : memref<32768xf32, #tpu.memory_space<vmem>>) dst(%dma_wait3A_378 : memref<32768xf32, #tpu.memory_space<hbm>>)
    %dma_wait3A_379 = tpu.memref_slice %arg4[%mul3A_372] : memref<33554432xf32, #tpu.memory_space<hbm>> -> memref<32768xf32, #tpu.memory_space<hbm>>
    %dma_wait3A_380 = tpu.memref_slice %arg4[%mul3A_372] : memref<33554432xf32, #tpu.memory_space<hbm>> -> memref<32768xf32, #tpu.memory_space<hbm>>
    tpu.wait_dma2 semaphore(%arg9 : memref<!tpu.dma_semaphore, #tpu.memory_space<semaphore_mem>>) src(%arg7 : memref<32768xf32, #tpu.memory_space<vmem>>) dst(%dma_wait3A_380 : memref<32768xf32, #tpu.memory_space<hbm>>)
    tpu.vector_store_idx %arg6[%add3A_308], %broadcast_in_dim3A_5 masked %and3A_351 : memref<32768xf32, #tpu.memory_space<vmem>>[vector<16xi32>], vector<16xf32>, vector<16xi1>
    tpu.vector_store_idx %arg7[%add3A_308], %broadcast_in_dim3A_5 masked %and3A_358 : memref<32768xf32, #tpu.memory_space<vmem>>[vector<16xi32>], vector<16xf32>, vector<16xi1>
    %get3A_381 = arith.constant 80 : index
    %get3A_382 = tpu.vector_load %arg5[%get3A_381] {strides = array<i32>} : memref<128xi32, #tpu.memory_space<vmem>>, vector<16xi32>,
    %add3A_383 = arith.addi %mul3A_10, %get3A_382 : vector<16xi32>
    %ge3A_384 = arith.constant 0 : i32
    %ge3A_385 = vector.broadcast %ge3A_384 : i32 to vector<16xi32>
    %ge3A_386 = arith.cmpi sge, %iota3A, %ge3A_385 : vector<16xi32>
    %lt3A_387 = arith.constant 4 : i32
    %lt3A_388 = vector.broadcast %lt3A_387 : i32 to vector<16xi32>
    %lt3A_389 = arith.cmpi slt, %iota3A, %lt3A_388 : vector<16xi32>
    %and3A_390 = arith.andi %ge3A_386, %lt3A_389 : vector<16xi1>
    %ge3A_391 = arith.constant 4 : i32
    %ge3A_392 = vector.broadcast %ge3A_391 : i32 to vector<16xi32>
    %ge3A_393 = arith.cmpi sge, %iota3A, %ge3A_392 : vector<16xi32>
    %lt3A_394 = arith.constant 8 : i32
    %lt3A_395 = vector.broadcast %lt3A_394 : i32 to vector<16xi32>
    %lt3A_396 = arith.cmpi slt, %iota3A, %lt3A_395 : vector<16xi32>
    %and3A_397 = arith.andi %ge3A_393, %lt3A_396 : vector<16xi1>
    tpu.vector_store_idx %arg6[%add3A_383], %broadcast_in_dim3A_3 masked %and3A_390 : memref<32768xf32, #tpu.memory_space<vmem>>[vector<16xi32>], vector<16xf32>, vector<16xi1>
    tpu.vector_store_idx %arg7[%add3A_383], %broadcast_in_dim3A_3 masked %and3A_397 : memref<32768xf32, #tpu.memory_space<vmem>>[vector<16xi32>], vector<16xf32>, vector<16xi1>
    %add3A_398 = arith.constant 80 : i32
    %add3A_399 = arith.addi %mul3A_2, %add3A_398 : i32
    %add3A_400 = arith.constant 0 : i32
    %add3A_401 = arith.addi %add3A_399, %add3A_400 : i32
    %mul3A_402 = arith.constant 8192 : i32
    %mul3A_403 = arith.muli %add3A_401, %mul3A_402 : i32
    %add3A_404 = arith.constant 80 : i32
    %add3A_405 = arith.addi %mul3A_2, %add3A_404 : i32
    %add3A_406 = arith.constant 0 : i32
    %add3A_407 = arith.addi %add3A_405, %add3A_406 : i32
    %add3A_408 = arith.constant 4 : i32
    %add3A_409 = arith.addi %add3A_407, %add3A_408 : i32
    %mul3A_410 = arith.constant 8192 : i32
    %mul3A_411 = arith.muli %add3A_409, %mul3A_410 : i32
    %dma_start3A_412 = tpu.memref_slice %arg4[%mul3A_403] : memref<33554432xf32, #tpu.memory_space<hbm>> -> memref<32768xf32, #tpu.memory_space<hbm>>
    %dma_start3A_413 = tpu.memref_slice %arg4[%mul3A_403] : memref<33554432xf32, #tpu.memory_space<hbm>> -> memref<32768xf32, #tpu.memory_space<hbm>>
    tpu.enqueue_dma source(%arg6 : memref<32768xf32, #tpu.memory_space<vmem>>) target(%dma_start3A_413 : memref<32768xf32, #tpu.memory_space<hbm>>) target_semaphore(%arg8 : memref<!tpu.dma_semaphore, #tpu.memory_space<semaphore_mem>>)
    %dma_start3A_414 = tpu.memref_slice %arg4[%mul3A_411] : memref<33554432xf32, #tpu.memory_space<hbm>> -> memref<32768xf32, #tpu.memory_space<hbm>>
    %dma_start3A_415 = tpu.memref_slice %arg4[%mul3A_411] : memref<33554432xf32, #tpu.memory_space<hbm>> -> memref<32768xf32, #tpu.memory_space<hbm>>
    tpu.enqueue_dma source(%arg7 : memref<32768xf32, #tpu.memory_space<vmem>>) target(%dma_start3A_415 : memref<32768xf32, #tpu.memory_space<hbm>>) target_semaphore(%arg9 : memref<!tpu.dma_semaphore, #tpu.memory_space<semaphore_mem>>)
    %dma_wait3A_416 = tpu.memref_slice %arg4[%mul3A_403] : memref<33554432xf32, #tpu.memory_space<hbm>> -> memref<32768xf32, #tpu.memory_space<hbm>>
    %dma_wait3A_417 = tpu.memref_slice %arg4[%mul3A_403] : memref<33554432xf32, #tpu.memory_space<hbm>> -> memref<32768xf32, #tpu.memory_space<hbm>>
    tpu.wait_dma2 semaphore(%arg8 : memref<!tpu.dma_semaphore, #tpu.memory_space<semaphore_mem>>) src(%arg6 : memref<32768xf32, #tpu.memory_space<vmem>>) dst(%dma_wait3A_417 : memref<32768xf32, #tpu.memory_space<hbm>>)
    %dma_wait3A_418 = tpu.memref_slice %arg4[%mul3A_411] : memref<33554432xf32, #tpu.memory_space<hbm>> -> memref<32768xf32, #tpu.memory_space<hbm>>
    %dma_wait3A_419 = tpu.memref_slice %arg4[%mul3A_411] : memref<33554432xf32, #tpu.memory_space<hbm>> -> memref<32768xf32, #tpu.memory_space<hbm>>
    tpu.wait_dma2 semaphore(%arg9 : memref<!tpu.dma_semaphore, #tpu.memory_space<semaphore_mem>>) src(%arg7 : memref<32768xf32, #tpu.memory_space<vmem>>) dst(%dma_wait3A_419 : memref<32768xf32, #tpu.memory_space<hbm>>)
    tpu.vector_store_idx %arg6[%add3A_383], %broadcast_in_dim3A_5 masked %and3A_390 : memref<32768xf32, #tpu.memory_space<vmem>>[vector<16xi32>], vector<16xf32>, vector<16xi1>
    tpu.vector_store_idx %arg7[%add3A_383], %broadcast_in_dim3A_5 masked %and3A_397 : memref<32768xf32, #tpu.memory_space<vmem>>[vector<16xi32>], vector<16xf32>, vector<16xi1>
    %ge3A_420 = arith.constant 8 : i32
    %ge3A_421 = vector.broadcast %ge3A_420 : i32 to vector<16xi32>
    %ge3A_422 = arith.cmpi sge, %iota3A, %ge3A_421 : vector<16xi32>
    %lt3A_423 = arith.constant 12 : i32
    %lt3A_424 = vector.broadcast %lt3A_423 : i32 to vector<16xi32>
    %lt3A_425 = arith.cmpi slt, %iota3A, %lt3A_424 : vector<16xi32>
    %and3A_426 = arith.andi %ge3A_422, %lt3A_425 : vector<16xi1>
    %ge3A_427 = arith.constant 12 : i32
    %ge3A_428 = vector.broadcast %ge3A_427 : i32 to vector<16xi32>
    %ge3A_429 = arith.cmpi sge, %iota3A, %ge3A_428 : vector<16xi32>
    %lt3A_430 = arith.constant 16 : i32
    %lt3A_431 = vector.broadcast %lt3A_430 : i32 to vector<16xi32>
    %lt3A_432 = arith.cmpi slt, %iota3A, %lt3A_431 : vector<16xi32>
    %and3A_433 = arith.andi %ge3A_429, %lt3A_432 : vector<16xi1>
    tpu.vector_store_idx %arg6[%add3A_383], %broadcast_in_dim3A_3 masked %and3A_426 : memref<32768xf32, #tpu.memory_space<vmem>>[vector<16xi32>], vector<16xf32>, vector<16xi1>
    tpu.vector_store_idx %arg7[%add3A_383], %broadcast_in_dim3A_3 masked %and3A_433 : memref<32768xf32, #tpu.memory_space<vmem>>[vector<16xi32>], vector<16xf32>, vector<16xi1>
    %add3A_434 = arith.constant 80 : i32
    %add3A_435 = arith.addi %mul3A_2, %add3A_434 : i32
    %add3A_436 = arith.constant 8 : i32
    %add3A_437 = arith.addi %add3A_435, %add3A_436 : i32
    %mul3A_438 = arith.constant 8192 : i32
    %mul3A_439 = arith.muli %add3A_437, %mul3A_438 : i32
    %add3A_440 = arith.constant 80 : i32
    %add3A_441 = arith.addi %mul3A_2, %add3A_440 : i32
    %add3A_442 = arith.constant 8 : i32
    %add3A_443 = arith.addi %add3A_441, %add3A_442 : i32
    %add3A_444 = arith.constant 4 : i32
    %add3A_445 = arith.addi %add3A_443, %add3A_444 : i32
    %mul3A_446 = arith.constant 8192 : i32
    %mul3A_447 = arith.muli %add3A_445, %mul3A_446 : i32
    %dma_start3A_448 = tpu.memref_slice %arg4[%mul3A_439] : memref<33554432xf32, #tpu.memory_space<hbm>> -> memref<32768xf32, #tpu.memory_space<hbm>>
    %dma_start3A_449 = tpu.memref_slice %arg4[%mul3A_439] : memref<33554432xf32, #tpu.memory_space<hbm>> -> memref<32768xf32, #tpu.memory_space<hbm>>
    tpu.enqueue_dma source(%arg6 : memref<32768xf32, #tpu.memory_space<vmem>>) target(%dma_start3A_449 : memref<32768xf32, #tpu.memory_space<hbm>>) target_semaphore(%arg8 : memref<!tpu.dma_semaphore, #tpu.memory_space<semaphore_mem>>)
    %dma_start3A_450 = tpu.memref_slice %arg4[%mul3A_447] : memref<33554432xf32, #tpu.memory_space<hbm>> -> memref<32768xf32, #tpu.memory_space<hbm>>
    %dma_start3A_451 = tpu.memref_slice %arg4[%mul3A_447] : memref<33554432xf32, #tpu.memory_space<hbm>> -> memref<32768xf32, #tpu.memory_space<hbm>>
    tpu.enqueue_dma source(%arg7 : memref<32768xf32, #tpu.memory_space<vmem>>) target(%dma_start3A_451 : memref<32768xf32, #tpu.memory_space<hbm>>) target_semaphore(%arg9 : memref<!tpu.dma_semaphore, #tpu.memory_space<semaphore_mem>>)
    %dma_wait3A_452 = tpu.memref_slice %arg4[%mul3A_439] : memref<33554432xf32, #tpu.memory_space<hbm>> -> memref<32768xf32, #tpu.memory_space<hbm>>
    %dma_wait3A_453 = tpu.memref_slice %arg4[%mul3A_439] : memref<33554432xf32, #tpu.memory_space<hbm>> -> memref<32768xf32, #tpu.memory_space<hbm>>
    tpu.wait_dma2 semaphore(%arg8 : memref<!tpu.dma_semaphore, #tpu.memory_space<semaphore_mem>>) src(%arg6 : memref<32768xf32, #tpu.memory_space<vmem>>) dst(%dma_wait3A_453 : memref<32768xf32, #tpu.memory_space<hbm>>)
    %dma_wait3A_454 = tpu.memref_slice %arg4[%mul3A_447] : memref<33554432xf32, #tpu.memory_space<hbm>> -> memref<32768xf32, #tpu.memory_space<hbm>>
    %dma_wait3A_455 = tpu.memref_slice %arg4[%mul3A_447] : memref<33554432xf32, #tpu.memory_space<hbm>> -> memref<32768xf32, #tpu.memory_space<hbm>>
    tpu.wait_dma2 semaphore(%arg9 : memref<!tpu.dma_semaphore, #tpu.memory_space<semaphore_mem>>) src(%arg7 : memref<32768xf32, #tpu.memory_space<vmem>>) dst(%dma_wait3A_455 : memref<32768xf32, #tpu.memory_space<hbm>>)
    tpu.vector_store_idx %arg6[%add3A_383], %broadcast_in_dim3A_5 masked %and3A_426 : memref<32768xf32, #tpu.memory_space<vmem>>[vector<16xi32>], vector<16xf32>, vector<16xi1>
    tpu.vector_store_idx %arg7[%add3A_383], %broadcast_in_dim3A_5 masked %and3A_433 : memref<32768xf32, #tpu.memory_space<vmem>>[vector<16xi32>], vector<16xf32>, vector<16xi1>
    %get3A_456 = arith.constant 96 : index
    %get3A_457 = tpu.vector_load %arg5[%get3A_456] {strides = array<i32>} : memref<128xi32, #tpu.memory_space<vmem>>, vector<16xi32>,
    %add3A_458 = arith.addi %mul3A_10, %get3A_457 : vector<16xi32>
    %ge3A_459 = arith.constant 0 : i32
    %ge3A_460 = vector.broadcast %ge3A_459 : i32 to vector<16xi32>
    %ge3A_461 = arith.cmpi sge, %iota3A, %ge3A_460 : vector<16xi32>
    %lt3A_462 = arith.constant 4 : i32
    %lt3A_463 = vector.broadcast %lt3A_462 : i32 to vector<16xi32>
    %lt3A_464 = arith.cmpi slt, %iota3A, %lt3A_463 : vector<16xi32>
    %and3A_465 = arith.andi %ge3A_461, %lt3A_464 : vector<16xi1>
    %ge3A_466 = arith.constant 4 : i32
    %ge3A_467 = vector.broadcast %ge3A_466 : i32 to vector<16xi32>
    %ge3A_468 = arith.cmpi sge, %iota3A, %ge3A_467 : vector<16xi32>
    %lt3A_469 = arith.constant 8 : i32
    %lt3A_470 = vector.broadcast %lt3A_469 : i32 to vector<16xi32>
    %lt3A_471 = arith.cmpi slt, %iota3A, %lt3A_470 : vector<16xi32>
    %and3A_472 = arith.andi %ge3A_468, %lt3A_471 : vector<16xi1>
    tpu.vector_store_idx %arg6[%add3A_458], %broadcast_in_dim3A_3 masked %and3A_465 : memref<32768xf32, #tpu.memory_space<vmem>>[vector<16xi32>], vector<16xf32>, vector<16xi1>
    tpu.vector_store_idx %arg7[%add3A_458], %broadcast_in_dim3A_3 masked %and3A_472 : memref<32768xf32, #tpu.memory_space<vmem>>[vector<16xi32>], vector<16xf32>, vector<16xi1>
    %add3A_473 = arith.constant 96 : i32
    %add3A_474 = arith.addi %mul3A_2, %add3A_473 : i32
    %add3A_475 = arith.constant 0 : i32
    %add3A_476 = arith.addi %add3A_474, %add3A_475 : i32
    %mul3A_477 = arith.constant 8192 : i32
    %mul3A_478 = arith.muli %add3A_476, %mul3A_477 : i32
    %add3A_479 = arith.constant 96 : i32
    %add3A_480 = arith.addi %mul3A_2, %add3A_479 : i32
    %add3A_481 = arith.constant 0 : i32
    %add3A_482 = arith.addi %add3A_480, %add3A_481 : i32
    %add3A_483 = arith.constant 4 : i32
    %add3A_484 = arith.addi %add3A_482, %add3A_483 : i32
    %mul3A_485 = arith.constant 8192 : i32
    %mul3A_486 = arith.muli %add3A_484, %mul3A_485 : i32
    %dma_start3A_487 = tpu.memref_slice %arg4[%mul3A_478] : memref<33554432xf32, #tpu.memory_space<hbm>> -> memref<32768xf32, #tpu.memory_space<hbm>>
    %dma_start3A_488 = tpu.memref_slice %arg4[%mul3A_478] : memref<33554432xf32, #tpu.memory_space<hbm>> -> memref<32768xf32, #tpu.memory_space<hbm>>
    tpu.enqueue_dma source(%arg6 : memref<32768xf32, #tpu.memory_space<vmem>>) target(%dma_start3A_488 : memref<32768xf32, #tpu.memory_space<hbm>>) target_semaphore(%arg8 : memref<!tpu.dma_semaphore, #tpu.memory_space<semaphore_mem>>)
    %dma_start3A_489 = tpu.memref_slice %arg4[%mul3A_486] : memref<33554432xf32, #tpu.memory_space<hbm>> -> memref<32768xf32, #tpu.memory_space<hbm>>
    %dma_start3A_490 = tpu.memref_slice %arg4[%mul3A_486] : memref<33554432xf32, #tpu.memory_space<hbm>> -> memref<32768xf32, #tpu.memory_space<hbm>>
    tpu.enqueue_dma source(%arg7 : memref<32768xf32, #tpu.memory_space<vmem>>) target(%dma_start3A_490 : memref<32768xf32, #tpu.memory_space<hbm>>) target_semaphore(%arg9 : memref<!tpu.dma_semaphore, #tpu.memory_space<semaphore_mem>>)
    %dma_wait3A_491 = tpu.memref_slice %arg4[%mul3A_478] : memref<33554432xf32, #tpu.memory_space<hbm>> -> memref<32768xf32, #tpu.memory_space<hbm>>
    %dma_wait3A_492 = tpu.memref_slice %arg4[%mul3A_478] : memref<33554432xf32, #tpu.memory_space<hbm>> -> memref<32768xf32, #tpu.memory_space<hbm>>
    tpu.wait_dma2 semaphore(%arg8 : memref<!tpu.dma_semaphore, #tpu.memory_space<semaphore_mem>>) src(%arg6 : memref<32768xf32, #tpu.memory_space<vmem>>) dst(%dma_wait3A_492 : memref<32768xf32, #tpu.memory_space<hbm>>)
    %dma_wait3A_493 = tpu.memref_slice %arg4[%mul3A_486] : memref<33554432xf32, #tpu.memory_space<hbm>> -> memref<32768xf32, #tpu.memory_space<hbm>>
    %dma_wait3A_494 = tpu.memref_slice %arg4[%mul3A_486] : memref<33554432xf32, #tpu.memory_space<hbm>> -> memref<32768xf32, #tpu.memory_space<hbm>>
    tpu.wait_dma2 semaphore(%arg9 : memref<!tpu.dma_semaphore, #tpu.memory_space<semaphore_mem>>) src(%arg7 : memref<32768xf32, #tpu.memory_space<vmem>>) dst(%dma_wait3A_494 : memref<32768xf32, #tpu.memory_space<hbm>>)
    tpu.vector_store_idx %arg6[%add3A_458], %broadcast_in_dim3A_5 masked %and3A_465 : memref<32768xf32, #tpu.memory_space<vmem>>[vector<16xi32>], vector<16xf32>, vector<16xi1>
    tpu.vector_store_idx %arg7[%add3A_458], %broadcast_in_dim3A_5 masked %and3A_472 : memref<32768xf32, #tpu.memory_space<vmem>>[vector<16xi32>], vector<16xf32>, vector<16xi1>
    %ge3A_495 = arith.constant 8 : i32
    %ge3A_496 = vector.broadcast %ge3A_495 : i32 to vector<16xi32>
    %ge3A_497 = arith.cmpi sge, %iota3A, %ge3A_496 : vector<16xi32>
    %lt3A_498 = arith.constant 12 : i32
    %lt3A_499 = vector.broadcast %lt3A_498 : i32 to vector<16xi32>
    %lt3A_500 = arith.cmpi slt, %iota3A, %lt3A_499 : vector<16xi32>
    %and3A_501 = arith.andi %ge3A_497, %lt3A_500 : vector<16xi1>
    %ge3A_502 = arith.constant 12 : i32
    %ge3A_503 = vector.broadcast %ge3A_502 : i32 to vector<16xi32>
    %ge3A_504 = arith.cmpi sge, %iota3A, %ge3A_503 : vector<16xi32>
    %lt3A_505 = arith.constant 16 : i32
    %lt3A_506 = vector.broadcast %lt3A_505 : i32 to vector<16xi32>
    %lt3A_507 = arith.cmpi slt, %iota3A, %lt3A_506 : vector<16xi32>
    %and3A_508 = arith.andi %ge3A_504, %lt3A_507 : vector<16xi1>
    tpu.vector_store_idx %arg6[%add3A_458], %broadcast_in_dim3A_3 masked %and3A_501 : memref<32768xf32, #tpu.memory_space<vmem>>[vector<16xi32>], vector<16xf32>, vector<16xi1>
    tpu.vector_store_idx %arg7[%add3A_458], %broadcast_in_dim3A_3 masked %and3A_508 : memref<32768xf32, #tpu.memory_space<vmem>>[vector<16xi32>], vector<16xf32>, vector<16xi1>
    %add3A_509 = arith.constant 96 : i32
    %add3A_510 = arith.addi %mul3A_2, %add3A_509 : i32
    %add3A_511 = arith.constant 8 : i32
    %add3A_512 = arith.addi %add3A_510, %add3A_511 : i32
    %mul3A_513 = arith.constant 8192 : i32
    %mul3A_514 = arith.muli %add3A_512, %mul3A_513 : i32
    %add3A_515 = arith.constant 96 : i32
    %add3A_516 = arith.addi %mul3A_2, %add3A_515 : i32
    %add3A_517 = arith.constant 8 : i32
    %add3A_518 = arith.addi %add3A_516, %add3A_517 : i32
    %add3A_519 = arith.constant 4 : i32
    %add3A_520 = arith.addi %add3A_518, %add3A_519 : i32
    %mul3A_521 = arith.constant 8192 : i32
    %mul3A_522 = arith.muli %add3A_520, %mul3A_521 : i32
    %dma_start3A_523 = tpu.memref_slice %arg4[%mul3A_514] : memref<33554432xf32, #tpu.memory_space<hbm>> -> memref<32768xf32, #tpu.memory_space<hbm>>
    %dma_start3A_524 = tpu.memref_slice %arg4[%mul3A_514] : memref<33554432xf32, #tpu.memory_space<hbm>> -> memref<32768xf32, #tpu.memory_space<hbm>>
    tpu.enqueue_dma source(%arg6 : memref<32768xf32, #tpu.memory_space<vmem>>) target(%dma_start3A_524 : memref<32768xf32, #tpu.memory_space<hbm>>) target_semaphore(%arg8 : memref<!tpu.dma_semaphore, #tpu.memory_space<semaphore_mem>>)
    %dma_start3A_525 = tpu.memref_slice %arg4[%mul3A_522] : memref<33554432xf32, #tpu.memory_space<hbm>> -> memref<32768xf32, #tpu.memory_space<hbm>>
    %dma_start3A_526 = tpu.memref_slice %arg4[%mul3A_522] : memref<33554432xf32, #tpu.memory_space<hbm>> -> memref<32768xf32, #tpu.memory_space<hbm>>
    tpu.enqueue_dma source(%arg7 : memref<32768xf32, #tpu.memory_space<vmem>>) target(%dma_start3A_526 : memref<32768xf32, #tpu.memory_space<hbm>>) target_semaphore(%arg9 : memref<!tpu.dma_semaphore, #tpu.memory_space<semaphore_mem>>)
    %dma_wait3A_527 = tpu.memref_slice %arg4[%mul3A_514] : memref<33554432xf32, #tpu.memory_space<hbm>> -> memref<32768xf32, #tpu.memory_space<hbm>>
    %dma_wait3A_528 = tpu.memref_slice %arg4[%mul3A_514] : memref<33554432xf32, #tpu.memory_space<hbm>> -> memref<32768xf32, #tpu.memory_space<hbm>>
    tpu.wait_dma2 semaphore(%arg8 : memref<!tpu.dma_semaphore, #tpu.memory_space<semaphore_mem>>) src(%arg6 : memref<32768xf32, #tpu.memory_space<vmem>>) dst(%dma_wait3A_528 : memref<32768xf32, #tpu.memory_space<hbm>>)
    %dma_wait3A_529 = tpu.memref_slice %arg4[%mul3A_522] : memref<33554432xf32, #tpu.memory_space<hbm>> -> memref<32768xf32, #tpu.memory_space<hbm>>
    %dma_wait3A_530 = tpu.memref_slice %arg4[%mul3A_522] : memref<33554432xf32, #tpu.memory_space<hbm>> -> memref<32768xf32, #tpu.memory_space<hbm>>
    tpu.wait_dma2 semaphore(%arg9 : memref<!tpu.dma_semaphore, #tpu.memory_space<semaphore_mem>>) src(%arg7 : memref<32768xf32, #tpu.memory_space<vmem>>) dst(%dma_wait3A_530 : memref<32768xf32, #tpu.memory_space<hbm>>)
    tpu.vector_store_idx %arg6[%add3A_458], %broadcast_in_dim3A_5 masked %and3A_501 : memref<32768xf32, #tpu.memory_space<vmem>>[vector<16xi32>], vector<16xf32>, vector<16xi1>
    tpu.vector_store_idx %arg7[%add3A_458], %broadcast_in_dim3A_5 masked %and3A_508 : memref<32768xf32, #tpu.memory_space<vmem>>[vector<16xi32>], vector<16xf32>, vector<16xi1>
    %get3A_531 = arith.constant 112 : index
    %get3A_532 = tpu.vector_load %arg5[%get3A_531] {strides = array<i32>} : memref<128xi32, #tpu.memory_space<vmem>>, vector<16xi32>,
    %add3A_533 = arith.addi %mul3A_10, %get3A_532 : vector<16xi32>
    %ge3A_534 = arith.constant 0 : i32
    %ge3A_535 = vector.broadcast %ge3A_534 : i32 to vector<16xi32>
    %ge3A_536 = arith.cmpi sge, %iota3A, %ge3A_535 : vector<16xi32>
    %lt3A_537 = arith.constant 4 : i32
    %lt3A_538 = vector.broadcast %lt3A_537 : i32 to vector<16xi32>
    %lt3A_539 = arith.cmpi slt, %iota3A, %lt3A_538 : vector<16xi32>
    %and3A_540 = arith.andi %ge3A_536, %lt3A_539 : vector<16xi1>
    %ge3A_541 = arith.constant 4 : i32
    %ge3A_542 = vector.broadcast %ge3A_541 : i32 to vector<16xi32>
    %ge3A_543 = arith.cmpi sge, %iota3A, %ge3A_542 : vector<16xi32>
    %lt3A_544 = arith.constant 8 : i32
    %lt3A_545 = vector.broadcast %lt3A_544 : i32 to vector<16xi32>
    %lt3A_546 = arith.cmpi slt, %iota3A, %lt3A_545 : vector<16xi32>
    %and3A_547 = arith.andi %ge3A_543, %lt3A_546 : vector<16xi1>
    tpu.vector_store_idx %arg6[%add3A_533], %broadcast_in_dim3A_3 masked %and3A_540 : memref<32768xf32, #tpu.memory_space<vmem>>[vector<16xi32>], vector<16xf32>, vector<16xi1>
    tpu.vector_store_idx %arg7[%add3A_533], %broadcast_in_dim3A_3 masked %and3A_547 : memref<32768xf32, #tpu.memory_space<vmem>>[vector<16xi32>], vector<16xf32>, vector<16xi1>
    %add3A_548 = arith.constant 112 : i32
    %add3A_549 = arith.addi %mul3A_2, %add3A_548 : i32
    %add3A_550 = arith.constant 0 : i32
    %add3A_551 = arith.addi %add3A_549, %add3A_550 : i32
    %mul3A_552 = arith.constant 8192 : i32
    %mul3A_553 = arith.muli %add3A_551, %mul3A_552 : i32
    %add3A_554 = arith.constant 112 : i32
    %add3A_555 = arith.addi %mul3A_2, %add3A_554 : i32
    %add3A_556 = arith.constant 0 : i32
    %add3A_557 = arith.addi %add3A_555, %add3A_556 : i32
    %add3A_558 = arith.constant 4 : i32
    %add3A_559 = arith.addi %add3A_557, %add3A_558 : i32
    %mul3A_560 = arith.constant 8192 : i32
    %mul3A_561 = arith.muli %add3A_559, %mul3A_560 : i32
    %dma_start3A_562 = tpu.memref_slice %arg4[%mul3A_553] : memref<33554432xf32, #tpu.memory_space<hbm>> -> memref<32768xf32, #tpu.memory_space<hbm>>
    %dma_start3A_563 = tpu.memref_slice %arg4[%mul3A_553] : memref<33554432xf32, #tpu.memory_space<hbm>> -> memref<32768xf32, #tpu.memory_space<hbm>>
    tpu.enqueue_dma source(%arg6 : memref<32768xf32, #tpu.memory_space<vmem>>) target(%dma_start3A_563 : memref<32768xf32, #tpu.memory_space<hbm>>) target_semaphore(%arg8 : memref<!tpu.dma_semaphore, #tpu.memory_space<semaphore_mem>>)
    %dma_start3A_564 = tpu.memref_slice %arg4[%mul3A_561] : memref<33554432xf32, #tpu.memory_space<hbm>> -> memref<32768xf32, #tpu.memory_space<hbm>>
    %dma_start3A_565 = tpu.memref_slice %arg4[%mul3A_561] : memref<33554432xf32, #tpu.memory_space<hbm>> -> memref<32768xf32, #tpu.memory_space<hbm>>
    tpu.enqueue_dma source(%arg7 : memref<32768xf32, #tpu.memory_space<vmem>>) target(%dma_start3A_565 : memref<32768xf32, #tpu.memory_space<hbm>>) target_semaphore(%arg9 : memref<!tpu.dma_semaphore, #tpu.memory_space<semaphore_mem>>)
    %dma_wait3A_566 = tpu.memref_slice %arg4[%mul3A_553] : memref<33554432xf32, #tpu.memory_space<hbm>> -> memref<32768xf32, #tpu.memory_space<hbm>>
    %dma_wait3A_567 = tpu.memref_slice %arg4[%mul3A_553] : memref<33554432xf32, #tpu.memory_space<hbm>> -> memref<32768xf32, #tpu.memory_space<hbm>>
    tpu.wait_dma2 semaphore(%arg8 : memref<!tpu.dma_semaphore, #tpu.memory_space<semaphore_mem>>) src(%arg6 : memref<32768xf32, #tpu.memory_space<vmem>>) dst(%dma_wait3A_567 : memref<32768xf32, #tpu.memory_space<hbm>>)
    %dma_wait3A_568 = tpu.memref_slice %arg4[%mul3A_561] : memref<33554432xf32, #tpu.memory_space<hbm>> -> memref<32768xf32, #tpu.memory_space<hbm>>
    %dma_wait3A_569 = tpu.memref_slice %arg4[%mul3A_561] : memref<33554432xf32, #tpu.memory_space<hbm>> -> memref<32768xf32, #tpu.memory_space<hbm>>
    tpu.wait_dma2 semaphore(%arg9 : memref<!tpu.dma_semaphore, #tpu.memory_space<semaphore_mem>>) src(%arg7 : memref<32768xf32, #tpu.memory_space<vmem>>) dst(%dma_wait3A_569 : memref<32768xf32, #tpu.memory_space<hbm>>)
    tpu.vector_store_idx %arg6[%add3A_533], %broadcast_in_dim3A_5 masked %and3A_540 : memref<32768xf32, #tpu.memory_space<vmem>>[vector<16xi32>], vector<16xf32>, vector<16xi1>
    tpu.vector_store_idx %arg7[%add3A_533], %broadcast_in_dim3A_5 masked %and3A_547 : memref<32768xf32, #tpu.memory_space<vmem>>[vector<16xi32>], vector<16xf32>, vector<16xi1>
    %ge3A_570 = arith.constant 8 : i32
    %ge3A_571 = vector.broadcast %ge3A_570 : i32 to vector<16xi32>
    %ge3A_572 = arith.cmpi sge, %iota3A, %ge3A_571 : vector<16xi32>
    %lt3A_573 = arith.constant 12 : i32
    %lt3A_574 = vector.broadcast %lt3A_573 : i32 to vector<16xi32>
    %lt3A_575 = arith.cmpi slt, %iota3A, %lt3A_574 : vector<16xi32>
    %and3A_576 = arith.andi %ge3A_572, %lt3A_575 : vector<16xi1>
    %ge3A_577 = arith.constant 12 : i32
    %ge3A_578 = vector.broadcast %ge3A_577 : i32 to vector<16xi32>
    %ge3A_579 = arith.cmpi sge, %iota3A, %ge3A_578 : vector<16xi32>
    %lt3A_580 = arith.constant 16 : i32
    %lt3A_581 = vector.broadcast %lt3A_580 : i32 to vector<16xi32>
    %lt3A_582 = arith.cmpi slt, %iota3A, %lt3A_581 : vector<16xi32>
    %and3A_583 = arith.andi %ge3A_579, %lt3A_582 : vector<16xi1>
    tpu.vector_store_idx %arg6[%add3A_533], %broadcast_in_dim3A_3 masked %and3A_576 : memref<32768xf32, #tpu.memory_space<vmem>>[vector<16xi32>], vector<16xf32>, vector<16xi1>
    tpu.vector_store_idx %arg7[%add3A_533], %broadcast_in_dim3A_3 masked %and3A_583 : memref<32768xf32, #tpu.memory_space<vmem>>[vector<16xi32>], vector<16xf32>, vector<16xi1>
    %add3A_584 = arith.constant 112 : i32
    %add3A_585 = arith.addi %mul3A_2, %add3A_584 : i32
    %add3A_586 = arith.constant 8 : i32
    %add3A_587 = arith.addi %add3A_585, %add3A_586 : i32
    %mul3A_588 = arith.constant 8192 : i32
    %mul3A_589 = arith.muli %add3A_587, %mul3A_588 : i32
    %add3A_590 = arith.constant 112 : i32
    %add3A_591 = arith.addi %mul3A_2, %add3A_590 : i32
    %add3A_592 = arith.constant 8 : i32
    %add3A_593 = arith.addi %add3A_591, %add3A_592 : i32
    %add3A_594 = arith.constant 4 : i32
    %add3A_595 = arith.addi %add3A_593, %add3A_594 : i32
    %mul3A_596 = arith.constant 8192 : i32
    %mul3A_597 = arith.muli %add3A_595, %mul3A_596 : i32
    %dma_start3A_598 = tpu.memref_slice %arg4[%mul3A_589] : memref<33554432xf32, #tpu.memory_space<hbm>> -> memref<32768xf32, #tpu.memory_space<hbm>>
    %dma_start3A_599 = tpu.memref_slice %arg4[%mul3A_589] : memref<33554432xf32, #tpu.memory_space<hbm>> -> memref<32768xf32, #tpu.memory_space<hbm>>
    tpu.enqueue_dma source(%arg6 : memref<32768xf32, #tpu.memory_space<vmem>>) target(%dma_start3A_599 : memref<32768xf32, #tpu.memory_space<hbm>>) target_semaphore(%arg8 : memref<!tpu.dma_semaphore, #tpu.memory_space<semaphore_mem>>)
    %dma_start3A_600 = tpu.memref_slice %arg4[%mul3A_597] : memref<33554432xf32, #tpu.memory_space<hbm>> -> memref<32768xf32, #tpu.memory_space<hbm>>
    %dma_start3A_601 = tpu.memref_slice %arg4[%mul3A_597] : memref<33554432xf32, #tpu.memory_space<hbm>> -> memref<32768xf32, #tpu.memory_space<hbm>>
    tpu.enqueue_dma source(%arg7 : memref<32768xf32, #tpu.memory_space<vmem>>) target(%dma_start3A_601 : memref<32768xf32, #tpu.memory_space<hbm>>) target_semaphore(%arg9 : memref<!tpu.dma_semaphore, #tpu.memory_space<semaphore_mem>>)
    %dma_wait3A_602 = tpu.memref_slice %arg4[%mul3A_589] : memref<33554432xf32, #tpu.memory_space<hbm>> -> memref<32768xf32, #tpu.memory_space<hbm>>
    %dma_wait3A_603 = tpu.memref_slice %arg4[%mul3A_589] : memref<33554432xf32, #tpu.memory_space<hbm>> -> memref<32768xf32, #tpu.memory_space<hbm>>
    tpu.wait_dma2 semaphore(%arg8 : memref<!tpu.dma_semaphore, #tpu.memory_space<semaphore_mem>>) src(%arg6 : memref<32768xf32, #tpu.memory_space<vmem>>) dst(%dma_wait3A_603 : memref<32768xf32, #tpu.memory_space<hbm>>)
    %dma_wait3A_604 = tpu.memref_slice %arg4[%mul3A_597] : memref<33554432xf32, #tpu.memory_space<hbm>> -> memref<32768xf32, #tpu.memory_space<hbm>>
    %dma_wait3A_605 = tpu.memref_slice %arg4[%mul3A_597] : memref<33554432xf32, #tpu.memory_space<hbm>> -> memref<32768xf32, #tpu.memory_space<hbm>>
    tpu.wait_dma2 semaphore(%arg9 : memref<!tpu.dma_semaphore, #tpu.memory_space<semaphore_mem>>) src(%arg7 : memref<32768xf32, #tpu.memory_space<vmem>>) dst(%dma_wait3A_605 : memref<32768xf32, #tpu.memory_space<hbm>>)
    tpu.vector_store_idx %arg6[%add3A_533], %broadcast_in_dim3A_5 masked %and3A_576 : memref<32768xf32, #tpu.memory_space<vmem>>[vector<16xi32>], vector<16xf32>, vector<16xi1>
    tpu.vector_store_idx %arg7[%add3A_533], %broadcast_in_dim3A_5 masked %and3A_583 : memref<32768xf32, #tpu.memory_space<vmem>>[vector<16xi32>], vector<16xf32>, vector<16xi1>
    return
  }
}

module attributes {stable_mosaic.version = 14 : i64} {
  func.func @_prep_body(%arg0: memref<4096x32xf32, #tpu.memory_space<vmem>>, %arg1: memref<32x8192xf32, #tpu.memory_space<vmem>>, %arg2: memref<4096x33xf32, #tpu.memory_space<vmem>>, %arg3: memref<33x8192xf32, #tpu.memory_space<vmem>>) attributes {dimension_semantics = [], scalar_prefetch = 0 : i64, scratch_operands = 0 : i64, tpu.core_type = #tpu.core_type<tc>} {
    %get3A = arith.constant 0 : index
    %get3A_0 = arith.constant 0 : index
    %get3A_1 = vector.load %arg1[%get3A, %get3A_0] : memref<32x8192xf32, #tpu.memory_space<vmem>>, vector<32x8192xf32>
    %mul3A = arith.mulf %get3A_1, %get3A_1 : vector<32x8192xf32>
    %reduce_sum3A = arith.constant dense<0.000000e+00> : vector<8192xf32>
    %reduce_sum3A_2 = vector.multi_reduction <add>, %mul3A, %reduce_sum3A [0] : vector<32x8192xf32> to vector<8192xf32>
    %broadcast_in_dim3A = vector.shape_cast %reduce_sum3A_2 : vector<8192xf32> to vector<1x8192xf32>
    %mul3A_3 = arith.constant -2.000000e+00 : f32
    %mul3A_4 = vector.broadcast %mul3A_3 : f32 to vector<32x8192xf32>
    %mul3A_5 = arith.mulf %get3A_1, %mul3A_4 : vector<32x8192xf32>
    %concatenate3A = tpu.concatenate %mul3A_5, %broadcast_in_dim3A in 0 : vector<32x8192xf32>, vector<1x8192xf32> -> vector<33x8192xf32>
    %swap3A = arith.constant 0 : index
    %swap3A_6 = arith.constant 0 : index
    %swap3A_7 = vector.load %arg3[%swap3A, %swap3A_6] : memref<33x8192xf32, #tpu.memory_space<vmem>>, vector<33x8192xf32>
    tpu.vector_store %arg3[%swap3A, %swap3A_6], %concatenate3A {strides = array<i32>} : memref<33x8192xf32, #tpu.memory_space<vmem>>, vector<33x8192xf32>,
    %get3A_8 = arith.constant 0 : index
    %get3A_9 = arith.constant 0 : index
    %get3A_10 = vector.load %arg0[%get3A_8, %get3A_9] : memref<4096x32xf32, #tpu.memory_space<vmem>>, vector<4096x32xf32>
    %broadcast_in_dim3A_11 = arith.constant 1.000000e+00 : f32
    %broadcast_in_dim3A_12 = vector.broadcast %broadcast_in_dim3A_11 : f32 to vector<4096x1xf32>
    %concatenate3A_13 = tpu.concatenate %get3A_10, %broadcast_in_dim3A_12 in 1 : vector<4096x32xf32>, vector<4096x1xf32> -> vector<4096x33xf32>
    %swap3A_14 = arith.constant 0 : index
    %swap3A_15 = arith.constant 0 : index
    %swap3A_16 = vector.load %arg2[%swap3A_14, %swap3A_15] : memref<4096x33xf32, #tpu.memory_space<vmem>>, vector<4096x33xf32>
    tpu.vector_store %arg2[%swap3A_14, %swap3A_15], %concatenate3A_13 {strides = array<i32>} : memref<4096x33xf32, #tpu.memory_space<vmem>>, vector<4096x33xf32>,
    return
  }
}

module attributes {stable_mosaic.version = 14 : i64} {
  func.func @_tc_body(%arg0: i32, %arg1: memref<256x33xf32, #tpu.memory_space<vmem>>, %arg2: memref<33x8192xf32, #tpu.memory_space<vmem>>, %arg3: memref<256x1xi32, #tpu.memory_space<vmem>>, %arg4: memref<256x8192xf32, #tpu.memory_space<vmem>>) attributes {dimension_semantics = [#tpu.dimension_semantics<arbitrary>], iteration_bounds = array<i64: 16>, scalar_prefetch = 0 : i64, scratch_operands = 1 : i64, tpu.core_type = #tpu.core_type<tc>, window_params = [{transform_indices = @transform_0, window_bounds = array<i64: 256, 33>}, {pipeline_mode = #tpu.pipeline_mode<synchronous>, transform_indices = @transform_1, window_bounds = array<i64: 33, 8192>}, {transform_indices = @transform_2, window_bounds = array<i64: 256, 1>}]} {
    %get3A = arith.constant 0 : index
    %get3A_0 = arith.constant 0 : index
    %get3A_1 = vector.load %arg1[%get3A, %get3A_0] : memref<256x33xf32, #tpu.memory_space<vmem>>, vector<256x33xf32>
    %get3A_2 = arith.constant 0 : index
    %get3A_3 = arith.constant 0 : index
    %get3A_4 = vector.load %arg2[%get3A_2, %get3A_3] : memref<33x8192xf32, #tpu.memory_space<vmem>>, vector<33x512xf32>
    %dot_general3A = arith.constant dense<0.000000e+00> : vector<256x512xf32>
    %dot_general3A_5 = tpu.matmul %get3A_1, %get3A_4, %dot_general3A {dimension_numbers = #tpu.dot_dimension_numbers<[1], [0], [0], [1], [0, 0, 1, 1], [], []>, precision = #tpu.contract_precision<fp32>, transpose_lhs_hint = false} : vector<256x33xf32>, vector<33x512xf32>, vector<256x512xf32> -> vector<256x512xf32>
    %swap3A = arith.constant 0 : index
    %swap3A_6 = arith.constant 0 : index
    %swap3A_7 = vector.load %arg4[%swap3A, %swap3A_6] : memref<256x8192xf32, #tpu.memory_space<vmem>>, vector<256x512xf32>
    tpu.vector_store %arg4[%swap3A, %swap3A_6], %dot_general3A_5 {strides = array<i32>} : memref<256x8192xf32, #tpu.memory_space<vmem>>, vector<256x512xf32>,
    %reduce_min3A = arith.constant dense<0x7F800000> : vector<256xf32>
    %reduce_min3A_8 = vector.multi_reduction <minimumf>, %dot_general3A_5, %reduce_min3A [1] : vector<256x512xf32> to vector<256xf32>
    %broadcast_in_dim3A = vector.shape_cast %reduce_min3A_8 : vector<256xf32> to vector<256x1xf32>
    %get3A_9 = arith.constant 0 : index
    %get3A_10 = arith.constant 512 : index
    %get3A_11 = vector.load %arg2[%get3A_9, %get3A_10] : memref<33x8192xf32, #tpu.memory_space<vmem>>, vector<33x512xf32>
    %dot_general3A_12 = arith.constant dense<0.000000e+00> : vector<256x512xf32>
    %dot_general3A_13 = tpu.matmul %get3A_1, %get3A_11, %dot_general3A_12 {dimension_numbers = #tpu.dot_dimension_numbers<[1], [0], [0], [1], [0, 0, 1, 1], [], []>, precision = #tpu.contract_precision<fp32>, transpose_lhs_hint = false} : vector<256x33xf32>, vector<33x512xf32>, vector<256x512xf32> -> vector<256x512xf32>
    %swap3A_14 = arith.constant 0 : index
    %swap3A_15 = arith.constant 512 : index
    %swap3A_16 = vector.load %arg4[%swap3A_14, %swap3A_15] : memref<256x8192xf32, #tpu.memory_space<vmem>>, vector<256x512xf32>
    tpu.vector_store %arg4[%swap3A_14, %swap3A_15], %dot_general3A_13 {strides = array<i32>} : memref<256x8192xf32, #tpu.memory_space<vmem>>, vector<256x512xf32>,
    %reduce_min3A_17 = arith.constant dense<0x7F800000> : vector<256xf32>
    %reduce_min3A_18 = vector.multi_reduction <minimumf>, %dot_general3A_13, %reduce_min3A_17 [1] : vector<256x512xf32> to vector<256xf32>
    %broadcast_in_dim3A_19 = vector.shape_cast %reduce_min3A_18 : vector<256xf32> to vector<256x1xf32>
    %get3A_20 = arith.constant 0 : index
    %get3A_21 = arith.constant 1024 : index
    %get3A_22 = vector.load %arg2[%get3A_20, %get3A_21] : memref<33x8192xf32, #tpu.memory_space<vmem>>, vector<33x512xf32>
    %dot_general3A_23 = arith.constant dense<0.000000e+00> : vector<256x512xf32>
    %dot_general3A_24 = tpu.matmul %get3A_1, %get3A_22, %dot_general3A_23 {dimension_numbers = #tpu.dot_dimension_numbers<[1], [0], [0], [1], [0, 0, 1, 1], [], []>, precision = #tpu.contract_precision<fp32>, transpose_lhs_hint = false} : vector<256x33xf32>, vector<33x512xf32>, vector<256x512xf32> -> vector<256x512xf32>
    %swap3A_25 = arith.constant 0 : index
    %swap3A_26 = arith.constant 1024 : index
    %swap3A_27 = vector.load %arg4[%swap3A_25, %swap3A_26] : memref<256x8192xf32, #tpu.memory_space<vmem>>, vector<256x512xf32>
    tpu.vector_store %arg4[%swap3A_25, %swap3A_26], %dot_general3A_24 {strides = array<i32>} : memref<256x8192xf32, #tpu.memory_space<vmem>>, vector<256x512xf32>,
    %reduce_min3A_28 = arith.constant dense<0x7F800000> : vector<256xf32>
    %reduce_min3A_29 = vector.multi_reduction <minimumf>, %dot_general3A_24, %reduce_min3A_28 [1] : vector<256x512xf32> to vector<256xf32>
    %broadcast_in_dim3A_30 = vector.shape_cast %reduce_min3A_29 : vector<256xf32> to vector<256x1xf32>
    %get3A_31 = arith.constant 0 : index
    %get3A_32 = arith.constant 1536 : index
    %get3A_33 = vector.load %arg2[%get3A_31, %get3A_32] : memref<33x8192xf32, #tpu.memory_space<vmem>>, vector<33x512xf32>
    %dot_general3A_34 = arith.constant dense<0.000000e+00> : vector<256x512xf32>
    %dot_general3A_35 = tpu.matmul %get3A_1, %get3A_33, %dot_general3A_34 {dimension_numbers = #tpu.dot_dimension_numbers<[1], [0], [0], [1], [0, 0, 1, 1], [], []>, precision = #tpu.contract_precision<fp32>, transpose_lhs_hint = false} : vector<256x33xf32>, vector<33x512xf32>, vector<256x512xf32> -> vector<256x512xf32>
    %swap3A_36 = arith.constant 0 : index
    %swap3A_37 = arith.constant 1536 : index
    %swap3A_38 = vector.load %arg4[%swap3A_36, %swap3A_37] : memref<256x8192xf32, #tpu.memory_space<vmem>>, vector<256x512xf32>
    tpu.vector_store %arg4[%swap3A_36, %swap3A_37], %dot_general3A_35 {strides = array<i32>} : memref<256x8192xf32, #tpu.memory_space<vmem>>, vector<256x512xf32>,
    %reduce_min3A_39 = arith.constant dense<0x7F800000> : vector<256xf32>
    %reduce_min3A_40 = vector.multi_reduction <minimumf>, %dot_general3A_35, %reduce_min3A_39 [1] : vector<256x512xf32> to vector<256xf32>
    %broadcast_in_dim3A_41 = vector.shape_cast %reduce_min3A_40 : vector<256xf32> to vector<256x1xf32>
    %get3A_42 = arith.constant 0 : index
    %get3A_43 = arith.constant 2048 : index
    %get3A_44 = vector.load %arg2[%get3A_42, %get3A_43] : memref<33x8192xf32, #tpu.memory_space<vmem>>, vector<33x512xf32>
    %dot_general3A_45 = arith.constant dense<0.000000e+00> : vector<256x512xf32>
    %dot_general3A_46 = tpu.matmul %get3A_1, %get3A_44, %dot_general3A_45 {dimension_numbers = #tpu.dot_dimension_numbers<[1], [0], [0], [1], [0, 0, 1, 1], [], []>, precision = #tpu.contract_precision<fp32>, transpose_lhs_hint = false} : vector<256x33xf32>, vector<33x512xf32>, vector<256x512xf32> -> vector<256x512xf32>
    %swap3A_47 = arith.constant 0 : index
    %swap3A_48 = arith.constant 2048 : index
    %swap3A_49 = vector.load %arg4[%swap3A_47, %swap3A_48] : memref<256x8192xf32, #tpu.memory_space<vmem>>, vector<256x512xf32>
    tpu.vector_store %arg4[%swap3A_47, %swap3A_48], %dot_general3A_46 {strides = array<i32>} : memref<256x8192xf32, #tpu.memory_space<vmem>>, vector<256x512xf32>,
    %reduce_min3A_50 = arith.constant dense<0x7F800000> : vector<256xf32>
    %reduce_min3A_51 = vector.multi_reduction <minimumf>, %dot_general3A_46, %reduce_min3A_50 [1] : vector<256x512xf32> to vector<256xf32>
    %broadcast_in_dim3A_52 = vector.shape_cast %reduce_min3A_51 : vector<256xf32> to vector<256x1xf32>
    %get3A_53 = arith.constant 0 : index
    %get3A_54 = arith.constant 2560 : index
    %get3A_55 = vector.load %arg2[%get3A_53, %get3A_54] : memref<33x8192xf32, #tpu.memory_space<vmem>>, vector<33x512xf32>
    %dot_general3A_56 = arith.constant dense<0.000000e+00> : vector<256x512xf32>
    %dot_general3A_57 = tpu.matmul %get3A_1, %get3A_55, %dot_general3A_56 {dimension_numbers = #tpu.dot_dimension_numbers<[1], [0], [0], [1], [0, 0, 1, 1], [], []>, precision = #tpu.contract_precision<fp32>, transpose_lhs_hint = false} : vector<256x33xf32>, vector<33x512xf32>, vector<256x512xf32> -> vector<256x512xf32>
    %swap3A_58 = arith.constant 0 : index
    %swap3A_59 = arith.constant 2560 : index
    %swap3A_60 = vector.load %arg4[%swap3A_58, %swap3A_59] : memref<256x8192xf32, #tpu.memory_space<vmem>>, vector<256x512xf32>
    tpu.vector_store %arg4[%swap3A_58, %swap3A_59], %dot_general3A_57 {strides = array<i32>} : memref<256x8192xf32, #tpu.memory_space<vmem>>, vector<256x512xf32>,
    %reduce_min3A_61 = arith.constant dense<0x7F800000> : vector<256xf32>
    %reduce_min3A_62 = vector.multi_reduction <minimumf>, %dot_general3A_57, %reduce_min3A_61 [1] : vector<256x512xf32> to vector<256xf32>
    %broadcast_in_dim3A_63 = vector.shape_cast %reduce_min3A_62 : vector<256xf32> to vector<256x1xf32>
    %get3A_64 = arith.constant 0 : index
    %get3A_65 = arith.constant 3072 : index
    %get3A_66 = vector.load %arg2[%get3A_64, %get3A_65] : memref<33x8192xf32, #tpu.memory_space<vmem>>, vector<33x512xf32>
    %dot_general3A_67 = arith.constant dense<0.000000e+00> : vector<256x512xf32>
    %dot_general3A_68 = tpu.matmul %get3A_1, %get3A_66, %dot_general3A_67 {dimension_numbers = #tpu.dot_dimension_numbers<[1], [0], [0], [1], [0, 0, 1, 1], [], []>, precision = #tpu.contract_precision<fp32>, transpose_lhs_hint = false} : vector<256x33xf32>, vector<33x512xf32>, vector<256x512xf32> -> vector<256x512xf32>
    %swap3A_69 = arith.constant 0 : index
    %swap3A_70 = arith.constant 3072 : index
    %swap3A_71 = vector.load %arg4[%swap3A_69, %swap3A_70] : memref<256x8192xf32, #tpu.memory_space<vmem>>, vector<256x512xf32>
    tpu.vector_store %arg4[%swap3A_69, %swap3A_70], %dot_general3A_68 {strides = array<i32>} : memref<256x8192xf32, #tpu.memory_space<vmem>>, vector<256x512xf32>,
    %reduce_min3A_72 = arith.constant dense<0x7F800000> : vector<256xf32>
    %reduce_min3A_73 = vector.multi_reduction <minimumf>, %dot_general3A_68, %reduce_min3A_72 [1] : vector<256x512xf32> to vector<256xf32>
    %broadcast_in_dim3A_74 = vector.shape_cast %reduce_min3A_73 : vector<256xf32> to vector<256x1xf32>
    %get3A_75 = arith.constant 0 : index
    %get3A_76 = arith.constant 3584 : index
    %get3A_77 = vector.load %arg2[%get3A_75, %get3A_76] : memref<33x8192xf32, #tpu.memory_space<vmem>>, vector<33x512xf32>
    %dot_general3A_78 = arith.constant dense<0.000000e+00> : vector<256x512xf32>
    %dot_general3A_79 = tpu.matmul %get3A_1, %get3A_77, %dot_general3A_78 {dimension_numbers = #tpu.dot_dimension_numbers<[1], [0], [0], [1], [0, 0, 1, 1], [], []>, precision = #tpu.contract_precision<fp32>, transpose_lhs_hint = false} : vector<256x33xf32>, vector<33x512xf32>, vector<256x512xf32> -> vector<256x512xf32>
    %swap3A_80 = arith.constant 0 : index
    %swap3A_81 = arith.constant 3584 : index
    %swap3A_82 = vector.load %arg4[%swap3A_80, %swap3A_81] : memref<256x8192xf32, #tpu.memory_space<vmem>>, vector<256x512xf32>
    tpu.vector_store %arg4[%swap3A_80, %swap3A_81], %dot_general3A_79 {strides = array<i32>} : memref<256x8192xf32, #tpu.memory_space<vmem>>, vector<256x512xf32>,
    %reduce_min3A_83 = arith.constant dense<0x7F800000> : vector<256xf32>
    %reduce_min3A_84 = vector.multi_reduction <minimumf>, %dot_general3A_79, %reduce_min3A_83 [1] : vector<256x512xf32> to vector<256xf32>
    %broadcast_in_dim3A_85 = vector.shape_cast %reduce_min3A_84 : vector<256xf32> to vector<256x1xf32>
    %get3A_86 = arith.constant 0 : index
    %get3A_87 = arith.constant 4096 : index
    %get3A_88 = vector.load %arg2[%get3A_86, %get3A_87] : memref<33x8192xf32, #tpu.memory_space<vmem>>, vector<33x512xf32>
    %dot_general3A_89 = arith.constant dense<0.000000e+00> : vector<256x512xf32>
    %dot_general3A_90 = tpu.matmul %get3A_1, %get3A_88, %dot_general3A_89 {dimension_numbers = #tpu.dot_dimension_numbers<[1], [0], [0], [1], [0, 0, 1, 1], [], []>, precision = #tpu.contract_precision<fp32>, transpose_lhs_hint = false} : vector<256x33xf32>, vector<33x512xf32>, vector<256x512xf32> -> vector<256x512xf32>
    %swap3A_91 = arith.constant 0 : index
    %swap3A_92 = arith.constant 4096 : index
    %swap3A_93 = vector.load %arg4[%swap3A_91, %swap3A_92] : memref<256x8192xf32, #tpu.memory_space<vmem>>, vector<256x512xf32>
    tpu.vector_store %arg4[%swap3A_91, %swap3A_92], %dot_general3A_90 {strides = array<i32>} : memref<256x8192xf32, #tpu.memory_space<vmem>>, vector<256x512xf32>,
    %reduce_min3A_94 = arith.constant dense<0x7F800000> : vector<256xf32>
    %reduce_min3A_95 = vector.multi_reduction <minimumf>, %dot_general3A_90, %reduce_min3A_94 [1] : vector<256x512xf32> to vector<256xf32>
    %broadcast_in_dim3A_96 = vector.shape_cast %reduce_min3A_95 : vector<256xf32> to vector<256x1xf32>
    %get3A_97 = arith.constant 0 : index
    %get3A_98 = arith.constant 4608 : index
    %get3A_99 = vector.load %arg2[%get3A_97, %get3A_98] : memref<33x8192xf32, #tpu.memory_space<vmem>>, vector<33x512xf32>
    %dot_general3A_100 = arith.constant dense<0.000000e+00> : vector<256x512xf32>
    %dot_general3A_101 = tpu.matmul %get3A_1, %get3A_99, %dot_general3A_100 {dimension_numbers = #tpu.dot_dimension_numbers<[1], [0], [0], [1], [0, 0, 1, 1], [], []>, precision = #tpu.contract_precision<fp32>, transpose_lhs_hint = false} : vector<256x33xf32>, vector<33x512xf32>, vector<256x512xf32> -> vector<256x512xf32>
    %swap3A_102 = arith.constant 0 : index
    %swap3A_103 = arith.constant 4608 : index
    %swap3A_104 = vector.load %arg4[%swap3A_102, %swap3A_103] : memref<256x8192xf32, #tpu.memory_space<vmem>>, vector<256x512xf32>
    tpu.vector_store %arg4[%swap3A_102, %swap3A_103], %dot_general3A_101 {strides = array<i32>} : memref<256x8192xf32, #tpu.memory_space<vmem>>, vector<256x512xf32>,
    %reduce_min3A_105 = arith.constant dense<0x7F800000> : vector<256xf32>
    %reduce_min3A_106 = vector.multi_reduction <minimumf>, %dot_general3A_101, %reduce_min3A_105 [1] : vector<256x512xf32> to vector<256xf32>
    %broadcast_in_dim3A_107 = vector.shape_cast %reduce_min3A_106 : vector<256xf32> to vector<256x1xf32>
    %get3A_108 = arith.constant 0 : index
    %get3A_109 = arith.constant 5120 : index
    %get3A_110 = vector.load %arg2[%get3A_108, %get3A_109] : memref<33x8192xf32, #tpu.memory_space<vmem>>, vector<33x512xf32>
    %dot_general3A_111 = arith.constant dense<0.000000e+00> : vector<256x512xf32>
    %dot_general3A_112 = tpu.matmul %get3A_1, %get3A_110, %dot_general3A_111 {dimension_numbers = #tpu.dot_dimension_numbers<[1], [0], [0], [1], [0, 0, 1, 1], [], []>, precision = #tpu.contract_precision<fp32>, transpose_lhs_hint = false} : vector<256x33xf32>, vector<33x512xf32>, vector<256x512xf32> -> vector<256x512xf32>
    %swap3A_113 = arith.constant 0 : index
    %swap3A_114 = arith.constant 5120 : index
    %swap3A_115 = vector.load %arg4[%swap3A_113, %swap3A_114] : memref<256x8192xf32, #tpu.memory_space<vmem>>, vector<256x512xf32>
    tpu.vector_store %arg4[%swap3A_113, %swap3A_114], %dot_general3A_112 {strides = array<i32>} : memref<256x8192xf32, #tpu.memory_space<vmem>>, vector<256x512xf32>,
    %reduce_min3A_116 = arith.constant dense<0x7F800000> : vector<256xf32>
    %reduce_min3A_117 = vector.multi_reduction <minimumf>, %dot_general3A_112, %reduce_min3A_116 [1] : vector<256x512xf32> to vector<256xf32>
    %broadcast_in_dim3A_118 = vector.shape_cast %reduce_min3A_117 : vector<256xf32> to vector<256x1xf32>
    %get3A_119 = arith.constant 0 : index
    %get3A_120 = arith.constant 5632 : index
    %get3A_121 = vector.load %arg2[%get3A_119, %get3A_120] : memref<33x8192xf32, #tpu.memory_space<vmem>>, vector<33x512xf32>
    %dot_general3A_122 = arith.constant dense<0.000000e+00> : vector<256x512xf32>
    %dot_general3A_123 = tpu.matmul %get3A_1, %get3A_121, %dot_general3A_122 {dimension_numbers = #tpu.dot_dimension_numbers<[1], [0], [0], [1], [0, 0, 1, 1], [], []>, precision = #tpu.contract_precision<fp32>, transpose_lhs_hint = false} : vector<256x33xf32>, vector<33x512xf32>, vector<256x512xf32> -> vector<256x512xf32>
    %swap3A_124 = arith.constant 0 : index
    %swap3A_125 = arith.constant 5632 : index
    %swap3A_126 = vector.load %arg4[%swap3A_124, %swap3A_125] : memref<256x8192xf32, #tpu.memory_space<vmem>>, vector<256x512xf32>
    tpu.vector_store %arg4[%swap3A_124, %swap3A_125], %dot_general3A_123 {strides = array<i32>} : memref<256x8192xf32, #tpu.memory_space<vmem>>, vector<256x512xf32>,
    %reduce_min3A_127 = arith.constant dense<0x7F800000> : vector<256xf32>
    %reduce_min3A_128 = vector.multi_reduction <minimumf>, %dot_general3A_123, %reduce_min3A_127 [1] : vector<256x512xf32> to vector<256xf32>
    %broadcast_in_dim3A_129 = vector.shape_cast %reduce_min3A_128 : vector<256xf32> to vector<256x1xf32>
    %get3A_130 = arith.constant 0 : index
    %get3A_131 = arith.constant 6144 : index
    %get3A_132 = vector.load %arg2[%get3A_130, %get3A_131] : memref<33x8192xf32, #tpu.memory_space<vmem>>, vector<33x512xf32>
    %dot_general3A_133 = arith.constant dense<0.000000e+00> : vector<256x512xf32>
    %dot_general3A_134 = tpu.matmul %get3A_1, %get3A_132, %dot_general3A_133 {dimension_numbers = #tpu.dot_dimension_numbers<[1], [0], [0], [1], [0, 0, 1, 1], [], []>, precision = #tpu.contract_precision<fp32>, transpose_lhs_hint = false} : vector<256x33xf32>, vector<33x512xf32>, vector<256x512xf32> -> vector<256x512xf32>
    %swap3A_135 = arith.constant 0 : index
    %swap3A_136 = arith.constant 6144 : index
    %swap3A_137 = vector.load %arg4[%swap3A_135, %swap3A_136] : memref<256x8192xf32, #tpu.memory_space<vmem>>, vector<256x512xf32>
    tpu.vector_store %arg4[%swap3A_135, %swap3A_136], %dot_general3A_134 {strides = array<i32>} : memref<256x8192xf32, #tpu.memory_space<vmem>>, vector<256x512xf32>,
    %reduce_min3A_138 = arith.constant dense<0x7F800000> : vector<256xf32>
    %reduce_min3A_139 = vector.multi_reduction <minimumf>, %dot_general3A_134, %reduce_min3A_138 [1] : vector<256x512xf32> to vector<256xf32>
    %broadcast_in_dim3A_140 = vector.shape_cast %reduce_min3A_139 : vector<256xf32> to vector<256x1xf32>
    %get3A_141 = arith.constant 0 : index
    %get3A_142 = arith.constant 6656 : index
    %get3A_143 = vector.load %arg2[%get3A_141, %get3A_142] : memref<33x8192xf32, #tpu.memory_space<vmem>>, vector<33x512xf32>
    %dot_general3A_144 = arith.constant dense<0.000000e+00> : vector<256x512xf32>
    %dot_general3A_145 = tpu.matmul %get3A_1, %get3A_143, %dot_general3A_144 {dimension_numbers = #tpu.dot_dimension_numbers<[1], [0], [0], [1], [0, 0, 1, 1], [], []>, precision = #tpu.contract_precision<fp32>, transpose_lhs_hint = false} : vector<256x33xf32>, vector<33x512xf32>, vector<256x512xf32> -> vector<256x512xf32>
    %swap3A_146 = arith.constant 0 : index
    %swap3A_147 = arith.constant 6656 : index
    %swap3A_148 = vector.load %arg4[%swap3A_146, %swap3A_147] : memref<256x8192xf32, #tpu.memory_space<vmem>>, vector<256x512xf32>
    tpu.vector_store %arg4[%swap3A_146, %swap3A_147], %dot_general3A_145 {strides = array<i32>} : memref<256x8192xf32, #tpu.memory_space<vmem>>, vector<256x512xf32>,
    %reduce_min3A_149 = arith.constant dense<0x7F800000> : vector<256xf32>
    %reduce_min3A_150 = vector.multi_reduction <minimumf>, %dot_general3A_145, %reduce_min3A_149 [1] : vector<256x512xf32> to vector<256xf32>
    %broadcast_in_dim3A_151 = vector.shape_cast %reduce_min3A_150 : vector<256xf32> to vector<256x1xf32>
    %get3A_152 = arith.constant 0 : index
    %get3A_153 = arith.constant 7168 : index
    %get3A_154 = vector.load %arg2[%get3A_152, %get3A_153] : memref<33x8192xf32, #tpu.memory_space<vmem>>, vector<33x512xf32>
    %dot_general3A_155 = arith.constant dense<0.000000e+00> : vector<256x512xf32>
    %dot_general3A_156 = tpu.matmul %get3A_1, %get3A_154, %dot_general3A_155 {dimension_numbers = #tpu.dot_dimension_numbers<[1], [0], [0], [1], [0, 0, 1, 1], [], []>, precision = #tpu.contract_precision<fp32>, transpose_lhs_hint = false} : vector<256x33xf32>, vector<33x512xf32>, vector<256x512xf32> -> vector<256x512xf32>
    %swap3A_157 = arith.constant 0 : index
    %swap3A_158 = arith.constant 7168 : index
    %swap3A_159 = vector.load %arg4[%swap3A_157, %swap3A_158] : memref<256x8192xf32, #tpu.memory_space<vmem>>, vector<256x512xf32>
    tpu.vector_store %arg4[%swap3A_157, %swap3A_158], %dot_general3A_156 {strides = array<i32>} : memref<256x8192xf32, #tpu.memory_space<vmem>>, vector<256x512xf32>,
    %reduce_min3A_160 = arith.constant dense<0x7F800000> : vector<256xf32>
    %reduce_min3A_161 = vector.multi_reduction <minimumf>, %dot_general3A_156, %reduce_min3A_160 [1] : vector<256x512xf32> to vector<256xf32>
    %broadcast_in_dim3A_162 = vector.shape_cast %reduce_min3A_161 : vector<256xf32> to vector<256x1xf32>
    %get3A_163 = arith.constant 0 : index
    %get3A_164 = arith.constant 7680 : index
    %get3A_165 = vector.load %arg2[%get3A_163, %get3A_164] : memref<33x8192xf32, #tpu.memory_space<vmem>>, vector<33x512xf32>
    %dot_general3A_166 = arith.constant dense<0.000000e+00> : vector<256x512xf32>
    %dot_general3A_167 = tpu.matmul %get3A_1, %get3A_165, %dot_general3A_166 {dimension_numbers = #tpu.dot_dimension_numbers<[1], [0], [0], [1], [0, 0, 1, 1], [], []>, precision = #tpu.contract_precision<fp32>, transpose_lhs_hint = false} : vector<256x33xf32>, vector<33x512xf32>, vector<256x512xf32> -> vector<256x512xf32>
    %swap3A_168 = arith.constant 0 : index
    %swap3A_169 = arith.constant 7680 : index
    %swap3A_170 = vector.load %arg4[%swap3A_168, %swap3A_169] : memref<256x8192xf32, #tpu.memory_space<vmem>>, vector<256x512xf32>
    tpu.vector_store %arg4[%swap3A_168, %swap3A_169], %dot_general3A_167 {strides = array<i32>} : memref<256x8192xf32, #tpu.memory_space<vmem>>, vector<256x512xf32>,
    %reduce_min3A_171 = arith.constant dense<0x7F800000> : vector<256xf32>
    %reduce_min3A_172 = vector.multi_reduction <minimumf>, %dot_general3A_167, %reduce_min3A_171 [1] : vector<256x512xf32> to vector<256xf32>
    %broadcast_in_dim3A_173 = vector.shape_cast %reduce_min3A_172 : vector<256xf32> to vector<256x1xf32>
    %concatenate3A = tpu.concatenate %broadcast_in_dim3A, %broadcast_in_dim3A_19, %broadcast_in_dim3A_30, %broadcast_in_dim3A_41, %broadcast_in_dim3A_52, %broadcast_in_dim3A_63, %broadcast_in_dim3A_74, %broadcast_in_dim3A_85, %broadcast_in_dim3A_96, %broadcast_in_dim3A_107, %broadcast_in_dim3A_118, %broadcast_in_dim3A_129, %broadcast_in_dim3A_140, %broadcast_in_dim3A_151, %broadcast_in_dim3A_162, %broadcast_in_dim3A_173 in 1 : vector<256x1xf32>, vector<256x1xf32>, vector<256x1xf32>, vector<256x1xf32>, vector<256x1xf32>, vector<256x1xf32>, vector<256x1xf32>, vector<256x1xf32>, vector<256x1xf32>, vector<256x1xf32>, vector<256x1xf32>, vector<256x1xf32>, vector<256x1xf32>, vector<256x1xf32>, vector<256x1xf32>, vector<256x1xf32> -> vector<256x16xf32>
    %reduce_min3A_174 = arith.constant dense<0x7F800000> : vector<256xf32>
    %reduce_min3A_175 = vector.multi_reduction <minimumf>, %concatenate3A, %reduce_min3A_174 [1] : vector<256x16xf32> to vector<256xf32>
    %broadcast_in_dim3A_176 = vector.shape_cast %reduce_min3A_175 : vector<256xf32> to vector<256x1xf32>
    %broadcast_in_dim3A_177 = arith.constant 8192 : i32
    %broadcast_in_dim3A_178 = vector.broadcast %broadcast_in_dim3A_177 : i32 to vector<256x1xi32>
    %get3A_179 = arith.constant 0 : index
    %get3A_180 = arith.constant 0 : index
    %get3A_181 = vector.load %arg4[%get3A_179, %get3A_180] : memref<256x8192xf32, #tpu.memory_space<vmem>>, vector<256x512xf32>
    %iota3A = tpu.iota {dimensions = array<i32: 1>} : vector<256x512xi32>
    %add3A = arith.constant 0 : i32
    %add3A_182 = vector.broadcast %add3A : i32 to vector<256x512xi32>
    %add3A_183 = arith.addi %iota3A, %add3A_182 : vector<256x512xi32>
    %eq3A = vector.broadcast %broadcast_in_dim3A_176 : vector<256x1xf32> to vector<256x512xf32>
    %eq3A_184 = arith.cmpf oeq, %get3A_181, %eq3A : vector<256x512xf32>
    %jit3A = arith.constant 8192 : i32
    %broadcast_in_dim3A_185 = vector.broadcast %jit3A : i32 to vector<256x512xi32>
    %select_n3A = arith.select %eq3A_184, %add3A_183, %broadcast_in_dim3A_185 : vector<256x512xi1>, vector<256x512xi32>
    %reduce_min3A_186 = arith.constant dense<2147483647> : vector<256xi32>
    %reduce_min3A_187 = vector.multi_reduction <minsi>, %select_n3A, %reduce_min3A_186 [1] : vector<256x512xi32> to vector<256xi32>
    %broadcast_in_dim3A_188 = vector.shape_cast %reduce_min3A_187 : vector<256xi32> to vector<256x1xi32>
    %min3A = arith.minsi %broadcast_in_dim3A_178, %broadcast_in_dim3A_188 : vector<256x1xi32>
    %get3A_189 = arith.constant 0 : index
    %get3A_190 = arith.constant 512 : index
    %get3A_191 = vector.load %arg4[%get3A_189, %get3A_190] : memref<256x8192xf32, #tpu.memory_space<vmem>>, vector<256x512xf32>
    %iota3A_192 = tpu.iota {dimensions = array<i32: 1>} : vector<256x512xi32>
    %add3A_193 = arith.constant 512 : i32
    %add3A_194 = vector.broadcast %add3A_193 : i32 to vector<256x512xi32>
    %add3A_195 = arith.addi %iota3A_192, %add3A_194 : vector<256x512xi32>
    %eq3A_196 = vector.broadcast %broadcast_in_dim3A_176 : vector<256x1xf32> to vector<256x512xf32>
    %eq3A_197 = arith.cmpf oeq, %get3A_191, %eq3A_196 : vector<256x512xf32>
    %jit3A_198 = arith.constant 8192 : i32
    %broadcast_in_dim3A_199 = vector.broadcast %jit3A_198 : i32 to vector<256x512xi32>
    %select_n3A_200 = arith.select %eq3A_197, %add3A_195, %broadcast_in_dim3A_199 : vector<256x512xi1>, vector<256x512xi32>
    %reduce_min3A_201 = arith.constant dense<2147483647> : vector<256xi32>
    %reduce_min3A_202 = vector.multi_reduction <minsi>, %select_n3A_200, %reduce_min3A_201 [1] : vector<256x512xi32> to vector<256xi32>
    %broadcast_in_dim3A_203 = vector.shape_cast %reduce_min3A_202 : vector<256xi32> to vector<256x1xi32>
    %min3A_204 = arith.minsi %min3A, %broadcast_in_dim3A_203 : vector<256x1xi32>
    %get3A_205 = arith.constant 0 : index
    %get3A_206 = arith.constant 1024 : index
    %get3A_207 = vector.load %arg4[%get3A_205, %get3A_206] : memref<256x8192xf32, #tpu.memory_space<vmem>>, vector<256x512xf32>
    %iota3A_208 = tpu.iota {dimensions = array<i32: 1>} : vector<256x512xi32>
    %add3A_209 = arith.constant 1024 : i32
    %add3A_210 = vector.broadcast %add3A_209 : i32 to vector<256x512xi32>
    %add3A_211 = arith.addi %iota3A_208, %add3A_210 : vector<256x512xi32>
    %eq3A_212 = vector.broadcast %broadcast_in_dim3A_176 : vector<256x1xf32> to vector<256x512xf32>
    %eq3A_213 = arith.cmpf oeq, %get3A_207, %eq3A_212 : vector<256x512xf32>
    %jit3A_214 = arith.constant 8192 : i32
    %broadcast_in_dim3A_215 = vector.broadcast %jit3A_214 : i32 to vector<256x512xi32>
    %select_n3A_216 = arith.select %eq3A_213, %add3A_211, %broadcast_in_dim3A_215 : vector<256x512xi1>, vector<256x512xi32>
    %reduce_min3A_217 = arith.constant dense<2147483647> : vector<256xi32>
    %reduce_min3A_218 = vector.multi_reduction <minsi>, %select_n3A_216, %reduce_min3A_217 [1] : vector<256x512xi32> to vector<256xi32>
    %broadcast_in_dim3A_219 = vector.shape_cast %reduce_min3A_218 : vector<256xi32> to vector<256x1xi32>
    %min3A_220 = arith.minsi %min3A_204, %broadcast_in_dim3A_219 : vector<256x1xi32>
    %get3A_221 = arith.constant 0 : index
    %get3A_222 = arith.constant 1536 : index
    %get3A_223 = vector.load %arg4[%get3A_221, %get3A_222] : memref<256x8192xf32, #tpu.memory_space<vmem>>, vector<256x512xf32>
    %iota3A_224 = tpu.iota {dimensions = array<i32: 1>} : vector<256x512xi32>
    %add3A_225 = arith.constant 1536 : i32
    %add3A_226 = vector.broadcast %add3A_225 : i32 to vector<256x512xi32>
    %add3A_227 = arith.addi %iota3A_224, %add3A_226 : vector<256x512xi32>
    %eq3A_228 = vector.broadcast %broadcast_in_dim3A_176 : vector<256x1xf32> to vector<256x512xf32>
    %eq3A_229 = arith.cmpf oeq, %get3A_223, %eq3A_228 : vector<256x512xf32>
    %jit3A_230 = arith.constant 8192 : i32
    %broadcast_in_dim3A_231 = vector.broadcast %jit3A_230 : i32 to vector<256x512xi32>
    %select_n3A_232 = arith.select %eq3A_229, %add3A_227, %broadcast_in_dim3A_231 : vector<256x512xi1>, vector<256x512xi32>
    %reduce_min3A_233 = arith.constant dense<2147483647> : vector<256xi32>
    %reduce_min3A_234 = vector.multi_reduction <minsi>, %select_n3A_232, %reduce_min3A_233 [1] : vector<256x512xi32> to vector<256xi32>
    %broadcast_in_dim3A_235 = vector.shape_cast %reduce_min3A_234 : vector<256xi32> to vector<256x1xi32>
    %min3A_236 = arith.minsi %min3A_220, %broadcast_in_dim3A_235 : vector<256x1xi32>
    %get3A_237 = arith.constant 0 : index
    %get3A_238 = arith.constant 2048 : index
    %get3A_239 = vector.load %arg4[%get3A_237, %get3A_238] : memref<256x8192xf32, #tpu.memory_space<vmem>>, vector<256x512xf32>
    %iota3A_240 = tpu.iota {dimensions = array<i32: 1>} : vector<256x512xi32>
    %add3A_241 = arith.constant 2048 : i32
    %add3A_242 = vector.broadcast %add3A_241 : i32 to vector<256x512xi32>
    %add3A_243 = arith.addi %iota3A_240, %add3A_242 : vector<256x512xi32>
    %eq3A_244 = vector.broadcast %broadcast_in_dim3A_176 : vector<256x1xf32> to vector<256x512xf32>
    %eq3A_245 = arith.cmpf oeq, %get3A_239, %eq3A_244 : vector<256x512xf32>
    %jit3A_246 = arith.constant 8192 : i32
    %broadcast_in_dim3A_247 = vector.broadcast %jit3A_246 : i32 to vector<256x512xi32>
    %select_n3A_248 = arith.select %eq3A_245, %add3A_243, %broadcast_in_dim3A_247 : vector<256x512xi1>, vector<256x512xi32>
    %reduce_min3A_249 = arith.constant dense<2147483647> : vector<256xi32>
    %reduce_min3A_250 = vector.multi_reduction <minsi>, %select_n3A_248, %reduce_min3A_249 [1] : vector<256x512xi32> to vector<256xi32>
    %broadcast_in_dim3A_251 = vector.shape_cast %reduce_min3A_250 : vector<256xi32> to vector<256x1xi32>
    %min3A_252 = arith.minsi %min3A_236, %broadcast_in_dim3A_251 : vector<256x1xi32>
    %get3A_253 = arith.constant 0 : index
    %get3A_254 = arith.constant 2560 : index
    %get3A_255 = vector.load %arg4[%get3A_253, %get3A_254] : memref<256x8192xf32, #tpu.memory_space<vmem>>, vector<256x512xf32>
    %iota3A_256 = tpu.iota {dimensions = array<i32: 1>} : vector<256x512xi32>
    %add3A_257 = arith.constant 2560 : i32
    %add3A_258 = vector.broadcast %add3A_257 : i32 to vector<256x512xi32>
    %add3A_259 = arith.addi %iota3A_256, %add3A_258 : vector<256x512xi32>
    %eq3A_260 = vector.broadcast %broadcast_in_dim3A_176 : vector<256x1xf32> to vector<256x512xf32>
    %eq3A_261 = arith.cmpf oeq, %get3A_255, %eq3A_260 : vector<256x512xf32>
    %jit3A_262 = arith.constant 8192 : i32
    %broadcast_in_dim3A_263 = vector.broadcast %jit3A_262 : i32 to vector<256x512xi32>
    %select_n3A_264 = arith.select %eq3A_261, %add3A_259, %broadcast_in_dim3A_263 : vector<256x512xi1>, vector<256x512xi32>
    %reduce_min3A_265 = arith.constant dense<2147483647> : vector<256xi32>
    %reduce_min3A_266 = vector.multi_reduction <minsi>, %select_n3A_264, %reduce_min3A_265 [1] : vector<256x512xi32> to vector<256xi32>
    %broadcast_in_dim3A_267 = vector.shape_cast %reduce_min3A_266 : vector<256xi32> to vector<256x1xi32>
    %min3A_268 = arith.minsi %min3A_252, %broadcast_in_dim3A_267 : vector<256x1xi32>
    %get3A_269 = arith.constant 0 : index
    %get3A_270 = arith.constant 3072 : index
    %get3A_271 = vector.load %arg4[%get3A_269, %get3A_270] : memref<256x8192xf32, #tpu.memory_space<vmem>>, vector<256x512xf32>
    %iota3A_272 = tpu.iota {dimensions = array<i32: 1>} : vector<256x512xi32>
    %add3A_273 = arith.constant 3072 : i32
    %add3A_274 = vector.broadcast %add3A_273 : i32 to vector<256x512xi32>
    %add3A_275 = arith.addi %iota3A_272, %add3A_274 : vector<256x512xi32>
    %eq3A_276 = vector.broadcast %broadcast_in_dim3A_176 : vector<256x1xf32> to vector<256x512xf32>
    %eq3A_277 = arith.cmpf oeq, %get3A_271, %eq3A_276 : vector<256x512xf32>
    %jit3A_278 = arith.constant 8192 : i32
    %broadcast_in_dim3A_279 = vector.broadcast %jit3A_278 : i32 to vector<256x512xi32>
    %select_n3A_280 = arith.select %eq3A_277, %add3A_275, %broadcast_in_dim3A_279 : vector<256x512xi1>, vector<256x512xi32>
    %reduce_min3A_281 = arith.constant dense<2147483647> : vector<256xi32>
    %reduce_min3A_282 = vector.multi_reduction <minsi>, %select_n3A_280, %reduce_min3A_281 [1] : vector<256x512xi32> to vector<256xi32>
    %broadcast_in_dim3A_283 = vector.shape_cast %reduce_min3A_282 : vector<256xi32> to vector<256x1xi32>
    %min3A_284 = arith.minsi %min3A_268, %broadcast_in_dim3A_283 : vector<256x1xi32>
    %get3A_285 = arith.constant 0 : index
    %get3A_286 = arith.constant 3584 : index
    %get3A_287 = vector.load %arg4[%get3A_285, %get3A_286] : memref<256x8192xf32, #tpu.memory_space<vmem>>, vector<256x512xf32>
    %iota3A_288 = tpu.iota {dimensions = array<i32: 1>} : vector<256x512xi32>
    %add3A_289 = arith.constant 3584 : i32
    %add3A_290 = vector.broadcast %add3A_289 : i32 to vector<256x512xi32>
    %add3A_291 = arith.addi %iota3A_288, %add3A_290 : vector<256x512xi32>
    %eq3A_292 = vector.broadcast %broadcast_in_dim3A_176 : vector<256x1xf32> to vector<256x512xf32>
    %eq3A_293 = arith.cmpf oeq, %get3A_287, %eq3A_292 : vector<256x512xf32>
    %jit3A_294 = arith.constant 8192 : i32
    %broadcast_in_dim3A_295 = vector.broadcast %jit3A_294 : i32 to vector<256x512xi32>
    %select_n3A_296 = arith.select %eq3A_293, %add3A_291, %broadcast_in_dim3A_295 : vector<256x512xi1>, vector<256x512xi32>
    %reduce_min3A_297 = arith.constant dense<2147483647> : vector<256xi32>
    %reduce_min3A_298 = vector.multi_reduction <minsi>, %select_n3A_296, %reduce_min3A_297 [1] : vector<256x512xi32> to vector<256xi32>
    %broadcast_in_dim3A_299 = vector.shape_cast %reduce_min3A_298 : vector<256xi32> to vector<256x1xi32>
    %min3A_300 = arith.minsi %min3A_284, %broadcast_in_dim3A_299 : vector<256x1xi32>
    %get3A_301 = arith.constant 0 : index
    %get3A_302 = arith.constant 4096 : index
    %get3A_303 = vector.load %arg4[%get3A_301, %get3A_302] : memref<256x8192xf32, #tpu.memory_space<vmem>>, vector<256x512xf32>
    %iota3A_304 = tpu.iota {dimensions = array<i32: 1>} : vector<256x512xi32>
    %add3A_305 = arith.constant 4096 : i32
    %add3A_306 = vector.broadcast %add3A_305 : i32 to vector<256x512xi32>
    %add3A_307 = arith.addi %iota3A_304, %add3A_306 : vector<256x512xi32>
    %eq3A_308 = vector.broadcast %broadcast_in_dim3A_176 : vector<256x1xf32> to vector<256x512xf32>
    %eq3A_309 = arith.cmpf oeq, %get3A_303, %eq3A_308 : vector<256x512xf32>
    %jit3A_310 = arith.constant 8192 : i32
    %broadcast_in_dim3A_311 = vector.broadcast %jit3A_310 : i32 to vector<256x512xi32>
    %select_n3A_312 = arith.select %eq3A_309, %add3A_307, %broadcast_in_dim3A_311 : vector<256x512xi1>, vector<256x512xi32>
    %reduce_min3A_313 = arith.constant dense<2147483647> : vector<256xi32>
    %reduce_min3A_314 = vector.multi_reduction <minsi>, %select_n3A_312, %reduce_min3A_313 [1] : vector<256x512xi32> to vector<256xi32>
    %broadcast_in_dim3A_315 = vector.shape_cast %reduce_min3A_314 : vector<256xi32> to vector<256x1xi32>
    %min3A_316 = arith.minsi %min3A_300, %broadcast_in_dim3A_315 : vector<256x1xi32>
    %get3A_317 = arith.constant 0 : index
    %get3A_318 = arith.constant 4608 : index
    %get3A_319 = vector.load %arg4[%get3A_317, %get3A_318] : memref<256x8192xf32, #tpu.memory_space<vmem>>, vector<256x512xf32>
    %iota3A_320 = tpu.iota {dimensions = array<i32: 1>} : vector<256x512xi32>
    %add3A_321 = arith.constant 4608 : i32
    %add3A_322 = vector.broadcast %add3A_321 : i32 to vector<256x512xi32>
    %add3A_323 = arith.addi %iota3A_320, %add3A_322 : vector<256x512xi32>
    %eq3A_324 = vector.broadcast %broadcast_in_dim3A_176 : vector<256x1xf32> to vector<256x512xf32>
    %eq3A_325 = arith.cmpf oeq, %get3A_319, %eq3A_324 : vector<256x512xf32>
    %jit3A_326 = arith.constant 8192 : i32
    %broadcast_in_dim3A_327 = vector.broadcast %jit3A_326 : i32 to vector<256x512xi32>
    %select_n3A_328 = arith.select %eq3A_325, %add3A_323, %broadcast_in_dim3A_327 : vector<256x512xi1>, vector<256x512xi32>
    %reduce_min3A_329 = arith.constant dense<2147483647> : vector<256xi32>
    %reduce_min3A_330 = vector.multi_reduction <minsi>, %select_n3A_328, %reduce_min3A_329 [1] : vector<256x512xi32> to vector<256xi32>
    %broadcast_in_dim3A_331 = vector.shape_cast %reduce_min3A_330 : vector<256xi32> to vector<256x1xi32>
    %min3A_332 = arith.minsi %min3A_316, %broadcast_in_dim3A_331 : vector<256x1xi32>
    %get3A_333 = arith.constant 0 : index
    %get3A_334 = arith.constant 5120 : index
    %get3A_335 = vector.load %arg4[%get3A_333, %get3A_334] : memref<256x8192xf32, #tpu.memory_space<vmem>>, vector<256x512xf32>
    %iota3A_336 = tpu.iota {dimensions = array<i32: 1>} : vector<256x512xi32>
    %add3A_337 = arith.constant 5120 : i32
    %add3A_338 = vector.broadcast %add3A_337 : i32 to vector<256x512xi32>
    %add3A_339 = arith.addi %iota3A_336, %add3A_338 : vector<256x512xi32>
    %eq3A_340 = vector.broadcast %broadcast_in_dim3A_176 : vector<256x1xf32> to vector<256x512xf32>
    %eq3A_341 = arith.cmpf oeq, %get3A_335, %eq3A_340 : vector<256x512xf32>
    %jit3A_342 = arith.constant 8192 : i32
    %broadcast_in_dim3A_343 = vector.broadcast %jit3A_342 : i32 to vector<256x512xi32>
    %select_n3A_344 = arith.select %eq3A_341, %add3A_339, %broadcast_in_dim3A_343 : vector<256x512xi1>, vector<256x512xi32>
    %reduce_min3A_345 = arith.constant dense<2147483647> : vector<256xi32>
    %reduce_min3A_346 = vector.multi_reduction <minsi>, %select_n3A_344, %reduce_min3A_345 [1] : vector<256x512xi32> to vector<256xi32>
    %broadcast_in_dim3A_347 = vector.shape_cast %reduce_min3A_346 : vector<256xi32> to vector<256x1xi32>
    %min3A_348 = arith.minsi %min3A_332, %broadcast_in_dim3A_347 : vector<256x1xi32>
    %get3A_349 = arith.constant 0 : index
    %get3A_350 = arith.constant 5632 : index
    %get3A_351 = vector.load %arg4[%get3A_349, %get3A_350] : memref<256x8192xf32, #tpu.memory_space<vmem>>, vector<256x512xf32>
    %iota3A_352 = tpu.iota {dimensions = array<i32: 1>} : vector<256x512xi32>
    %add3A_353 = arith.constant 5632 : i32
    %add3A_354 = vector.broadcast %add3A_353 : i32 to vector<256x512xi32>
    %add3A_355 = arith.addi %iota3A_352, %add3A_354 : vector<256x512xi32>
    %eq3A_356 = vector.broadcast %broadcast_in_dim3A_176 : vector<256x1xf32> to vector<256x512xf32>
    %eq3A_357 = arith.cmpf oeq, %get3A_351, %eq3A_356 : vector<256x512xf32>
    %jit3A_358 = arith.constant 8192 : i32
    %broadcast_in_dim3A_359 = vector.broadcast %jit3A_358 : i32 to vector<256x512xi32>
    %select_n3A_360 = arith.select %eq3A_357, %add3A_355, %broadcast_in_dim3A_359 : vector<256x512xi1>, vector<256x512xi32>
    %reduce_min3A_361 = arith.constant dense<2147483647> : vector<256xi32>
    %reduce_min3A_362 = vector.multi_reduction <minsi>, %select_n3A_360, %reduce_min3A_361 [1] : vector<256x512xi32> to vector<256xi32>
    %broadcast_in_dim3A_363 = vector.shape_cast %reduce_min3A_362 : vector<256xi32> to vector<256x1xi32>
    %min3A_364 = arith.minsi %min3A_348, %broadcast_in_dim3A_363 : vector<256x1xi32>
    %get3A_365 = arith.constant 0 : index
    %get3A_366 = arith.constant 6144 : index
    %get3A_367 = vector.load %arg4[%get3A_365, %get3A_366] : memref<256x8192xf32, #tpu.memory_space<vmem>>, vector<256x512xf32>
    %iota3A_368 = tpu.iota {dimensions = array<i32: 1>} : vector<256x512xi32>
    %add3A_369 = arith.constant 6144 : i32
    %add3A_370 = vector.broadcast %add3A_369 : i32 to vector<256x512xi32>
    %add3A_371 = arith.addi %iota3A_368, %add3A_370 : vector<256x512xi32>
    %eq3A_372 = vector.broadcast %broadcast_in_dim3A_176 : vector<256x1xf32> to vector<256x512xf32>
    %eq3A_373 = arith.cmpf oeq, %get3A_367, %eq3A_372 : vector<256x512xf32>
    %jit3A_374 = arith.constant 8192 : i32
    %broadcast_in_dim3A_375 = vector.broadcast %jit3A_374 : i32 to vector<256x512xi32>
    %select_n3A_376 = arith.select %eq3A_373, %add3A_371, %broadcast_in_dim3A_375 : vector<256x512xi1>, vector<256x512xi32>
    %reduce_min3A_377 = arith.constant dense<2147483647> : vector<256xi32>
    %reduce_min3A_378 = vector.multi_reduction <minsi>, %select_n3A_376, %reduce_min3A_377 [1] : vector<256x512xi32> to vector<256xi32>
    %broadcast_in_dim3A_379 = vector.shape_cast %reduce_min3A_378 : vector<256xi32> to vector<256x1xi32>
    %min3A_380 = arith.minsi %min3A_364, %broadcast_in_dim3A_379 : vector<256x1xi32>
    %get3A_381 = arith.constant 0 : index
    %get3A_382 = arith.constant 6656 : index
    %get3A_383 = vector.load %arg4[%get3A_381, %get3A_382] : memref<256x8192xf32, #tpu.memory_space<vmem>>, vector<256x512xf32>
    %iota3A_384 = tpu.iota {dimensions = array<i32: 1>} : vector<256x512xi32>
    %add3A_385 = arith.constant 6656 : i32
    %add3A_386 = vector.broadcast %add3A_385 : i32 to vector<256x512xi32>
    %add3A_387 = arith.addi %iota3A_384, %add3A_386 : vector<256x512xi32>
    %eq3A_388 = vector.broadcast %broadcast_in_dim3A_176 : vector<256x1xf32> to vector<256x512xf32>
    %eq3A_389 = arith.cmpf oeq, %get3A_383, %eq3A_388 : vector<256x512xf32>
    %jit3A_390 = arith.constant 8192 : i32
    %broadcast_in_dim3A_391 = vector.broadcast %jit3A_390 : i32 to vector<256x512xi32>
    %select_n3A_392 = arith.select %eq3A_389, %add3A_387, %broadcast_in_dim3A_391 : vector<256x512xi1>, vector<256x512xi32>
    %reduce_min3A_393 = arith.constant dense<2147483647> : vector<256xi32>
    %reduce_min3A_394 = vector.multi_reduction <minsi>, %select_n3A_392, %reduce_min3A_393 [1] : vector<256x512xi32> to vector<256xi32>
    %broadcast_in_dim3A_395 = vector.shape_cast %reduce_min3A_394 : vector<256xi32> to vector<256x1xi32>
    %min3A_396 = arith.minsi %min3A_380, %broadcast_in_dim3A_395 : vector<256x1xi32>
    %get3A_397 = arith.constant 0 : index
    %get3A_398 = arith.constant 7168 : index
    %get3A_399 = vector.load %arg4[%get3A_397, %get3A_398] : memref<256x8192xf32, #tpu.memory_space<vmem>>, vector<256x512xf32>
    %iota3A_400 = tpu.iota {dimensions = array<i32: 1>} : vector<256x512xi32>
    %add3A_401 = arith.constant 7168 : i32
    %add3A_402 = vector.broadcast %add3A_401 : i32 to vector<256x512xi32>
    %add3A_403 = arith.addi %iota3A_400, %add3A_402 : vector<256x512xi32>
    %eq3A_404 = vector.broadcast %broadcast_in_dim3A_176 : vector<256x1xf32> to vector<256x512xf32>
    %eq3A_405 = arith.cmpf oeq, %get3A_399, %eq3A_404 : vector<256x512xf32>
    %jit3A_406 = arith.constant 8192 : i32
    %broadcast_in_dim3A_407 = vector.broadcast %jit3A_406 : i32 to vector<256x512xi32>
    %select_n3A_408 = arith.select %eq3A_405, %add3A_403, %broadcast_in_dim3A_407 : vector<256x512xi1>, vector<256x512xi32>
    %reduce_min3A_409 = arith.constant dense<2147483647> : vector<256xi32>
    %reduce_min3A_410 = vector.multi_reduction <minsi>, %select_n3A_408, %reduce_min3A_409 [1] : vector<256x512xi32> to vector<256xi32>
    %broadcast_in_dim3A_411 = vector.shape_cast %reduce_min3A_410 : vector<256xi32> to vector<256x1xi32>
    %min3A_412 = arith.minsi %min3A_396, %broadcast_in_dim3A_411 : vector<256x1xi32>
    %get3A_413 = arith.constant 0 : index
    %get3A_414 = arith.constant 7680 : index
    %get3A_415 = vector.load %arg4[%get3A_413, %get3A_414] : memref<256x8192xf32, #tpu.memory_space<vmem>>, vector<256x512xf32>
    %iota3A_416 = tpu.iota {dimensions = array<i32: 1>} : vector<256x512xi32>
    %add3A_417 = arith.constant 7680 : i32
    %add3A_418 = vector.broadcast %add3A_417 : i32 to vector<256x512xi32>
    %add3A_419 = arith.addi %iota3A_416, %add3A_418 : vector<256x512xi32>
    %eq3A_420 = vector.broadcast %broadcast_in_dim3A_176 : vector<256x1xf32> to vector<256x512xf32>
    %eq3A_421 = arith.cmpf oeq, %get3A_415, %eq3A_420 : vector<256x512xf32>
    %jit3A_422 = arith.constant 8192 : i32
    %broadcast_in_dim3A_423 = vector.broadcast %jit3A_422 : i32 to vector<256x512xi32>
    %select_n3A_424 = arith.select %eq3A_421, %add3A_419, %broadcast_in_dim3A_423 : vector<256x512xi1>, vector<256x512xi32>
    %reduce_min3A_425 = arith.constant dense<2147483647> : vector<256xi32>
    %reduce_min3A_426 = vector.multi_reduction <minsi>, %select_n3A_424, %reduce_min3A_425 [1] : vector<256x512xi32> to vector<256xi32>
    %broadcast_in_dim3A_427 = vector.shape_cast %reduce_min3A_426 : vector<256xi32> to vector<256x1xi32>
    %min3A_428 = arith.minsi %min3A_412, %broadcast_in_dim3A_427 : vector<256x1xi32>
    %swap3A_429 = arith.constant 0 : index
    %swap3A_430 = arith.constant 0 : index
    %swap3A_431 = vector.load %arg3[%swap3A_429, %swap3A_430] : memref<256x1xi32, #tpu.memory_space<vmem>>, vector<256x1xi32>
    tpu.vector_store %arg3[%swap3A_429, %swap3A_430], %min3A_428 {strides = array<i32>} : memref<256x1xi32, #tpu.memory_space<vmem>>, vector<256x1xi32>,
    return
  }
  func.func @transform_0(%arg0: i32) -> (i32, i32) {
    %c0_i32 = arith.constant 0 : i32
    %c0_i32_0 = arith.constant 0 : i32
    return %arg0, %c0_i32 : i32, i32
  }
  func.func @transform_1(%arg0: i32) -> (i32, i32) {
    %c0_i32 = arith.constant 0 : i32
    %c0_i32_0 = arith.constant 0 : i32
    %c0_i32_1 = arith.constant 0 : i32
    return %c0_i32, %c0_i32_0 : i32, i32
  }
  func.func @transform_2(%arg0: i32) -> (i32, i32) {
    %c0_i32 = arith.constant 0 : i32
    %c0_i32_0 = arith.constant 0 : i32
    return %arg0, %c0_i32 : i32, i32
  }
}

</mosaic_0001>

<sc_bundles>
// kernel: kernel.5.cloned.1.call-start
scs
__scs_entry_jumppad:
0x0: {  	(pc) =	sbr.rel $0x88, $3  }
0x1: {  	(tag) =	ssettag $0x0;
	lr =	simm.s32 $0x1  }
0x2: {  	[smem:$0x3F9F] =	sst lr;
	_ =	strace $0xD0000000  }
0x3: {  	_ = 	snop  }
0x4: {  	_ = 	snop  }
0x5: {  	_ = 	snop  }
0x6: {  	_ = 	snop  }
0x7: {  	_ = 	snop  }
__scs_overlays_trampoline_lowered:
0x8: {  	[smem:$0x3FAE] =	sst s0  }
0x9: {  	[smem:$0x3FAF] =	sst s1  }
0xa: {  	[smem:$0x3FB0] =	sst s2  }
0xb: {  	[smem:$0x3FB1] =	sst s3  }
0xc: {  	[smem:$0x3FB2] =	sst s4  }
0xd: {  	[smem:$0x3FB3] =	sst s5  }
0xe: {  	[smem:$0x3FB4] =	sst s6  }
0xf: {  	[smem:$0x3FB5] =	sst s7  }
0x10: {  	[smem:$0x3FB6] =	sst s8  }
0x11: {  	[smem:$0x3FB7] =	sst s9;
	s0 =	simm.s32 @!p0 $0x0  }
0x12: {  	s1 =	sld [smem:$0x3F9D];
	s0 =	simm.s32 @p0 $0x1  }
0x13: {  	[smem:$0x3FB8] =	sst s0;
	s0 =	simm.s32 @!p1 $0x0  }
0x14: {  	s2 =	sld [smem:$0x3F9C];
	s0 =	simm.s32 @p1 $0x1  }
0x15: {  	[smem:$0x3FB9] =	sst s0;
	s0 =	simm.s32 @!p2 $0x0  }
0x16: {  	s3 =	sld [smem:$0x3FDB];
	s0 =	simm.s32 @p2 $0x1  }
0x17: {  	s4 =	simm.s32 $0x1BF5;
	[smem:$0x3FBB] =	sst s0  }
0x18: {  	s0 =	sld [smem:$0x3F9E];
	_ =	swait.ge [sflag:s4], $0x0  }
0x19: {  	s7 =	sld [smem:$0x3F9F]  }
0x1a: {  	s8 =	sadd.s32 $0xFFFFE003, lr  }
0x1b: {  	s9 =	sadd.s32 $0xFFFFFEF7, lr;
	s5 =	simm.s32 $0xFFFFFFFF;
	p2 =	slt.u32 s8, $0xFFFFF086  }
0x1c: {  	p1 =	slt.u32 s9, $0xF7A;
	s5 =	simm.s32 @!p2 $0x0  }
0x1d: {  	s5 =	simm.s32 @p1 $0x1;
	p0 =	seq.s32 s7, s2  }
0x1e: {  	s7 =	smul.u32 @!p0 $0xF7A, s2;
	p2 =	seq.s32 @!p0 s5, $0x0  }
0x1f: {  	s9 =	smul.u32 $0xF7A, s1;
	s8 =	simm.s32 @!p0 $0x1BF5;
	p2 =	por !p2, p0  }
0x20: {  	[sflag:s8] =	ssyncset.s32 @!p0 $0xFFFFF086;
	s6 =	sadd.s32 @!p0 s3, s7;
	s7 =	simm.s32 @!p0 $0x108  }
0x21: {  	s3 =	sadd.s32 s3, s9;
	s6 =	sadd.s32 @!p0 $0x88, s6;
	s7 =	simm.s32 @p2 $0x1082  }
0x22: {  	[simem:s7], [sflag:s8] =	dma.local @!p0 [hbm:s6], $0xF7A  }
0x23: {  	s9 =	sor.u32 $0xD0000000, s2;
	s6 =	simm.s32 $0x108;
	_ =	swait.ge @!p0 [sflag:s8], $0x0  }
0x24: {  	s3 =	sadd.s32 $0x88, s3;
	s6 =	simm.s32 @!p1 $0x1082;
	[sflag:s4] =	ssyncset.s32 $0xFFFFF086  }
0x25: {  	[simem:s6], [sflag:s4] =	dma.local [hbm:s3], $0xF7A  }
0x26: {  	[smem:$0x3F9F] =	sst s1;
	(tag) =	ssettag s2;
	_ =	strace s9  }
0x27: {  	s1 =	sld [smem:$0x3FAF]  }
0x28: {  	s2 =	sld [smem:$0x3FB0]  }
0x29: {  	s4 =	sld [smem:$0x3FB2]  }
0x2a: {  	p0 =	seq.s32 s5, $0x0;
	s5 =	sld [smem:$0x3FB3]  }
0x2b: {  	s6 =	sld [smem:$0x3FB4]  }
0x2c: {  	s7 =	sld [smem:$0x3FB5]  }
0x2d: {  	s3 =	simm.s32 $0x108;
	s8 =	sld [smem:$0x3FB6]  }
0x2e: {  	s3 =	simm.s32 @!p0 $0x1082;
	s9 =	sld [smem:$0x3FB7]  }
0x2f: {  	lr =	sadd.s32 s0, s3;
	s0 =	sld [smem:$0x3FAE]  }
0x30: {  	s3 =	sld [smem:$0x3FB1]  }
0x31: {  	[smem:$0x3FBA] =	sst s10  }
0x32: {  	s10 =	sld [smem:$0x3FB8];
	_ =	sdelay $0x3  }
0x33: {  	p0 =	seq.s32 s10, $0x1;
	s10 =	sld [smem:$0x3FBA];
	_ =	sdelay $0x3  }
0x34: {  	[smem:$0x3FBA] =	sst s10  }
0x35: {  	s10 =	sld [smem:$0x3FB9];
	_ =	sdelay $0x3  }
0x36: {  	p1 =	seq.s32 s10, $0x1;
	s10 =	sld [smem:$0x3FBA];
	_ =	sdelay $0x3  }
0x37: {  	[smem:$0x3FBA] =	sst s10  }
0x38: {  	s10 =	sld [smem:$0x3FBB]  }
0x39: {  	_ = 	snop;
	(pc) =	sbr.ind lr, $3  }
0x3a: {  	_ = 	snop  }
0x3b: {  	_ = 	snop  }
0x3c: {  	p2 =	seq.s32 s10, $0x1;
	s10 =	sld [smem:$0x3FBA]  }
0x3d: {  	_ =	shalt  }
0x3e: {  	_ =	shalt  }
0x3f: {  	_ =	shalt  }
0x40: {  	_ =	shalt  }
0x41: {  	_ =	shalt  }
0x42: {  	_ =	shalt  }
0x43: {  	_ =	shalt  }
0x44: {  	_ =	shalt  }
0x45: {  	_ =	shalt  }
0x46: {  	_ =	shalt  }
0x47: {  	_ =	shalt  }
0x48: {  	_ =	shalt  }
0x49: {  	_ =	shalt  }
0x4a: {  	_ =	shalt  }
0x4b: {  	_ =	shalt  }
0x4c: {  	_ =	shalt  }
0x4d: {  	_ =	shalt  }
0x4e: {  	_ =	shalt  }
0x4f: {  	_ =	shalt  }
0x50: {  	_ =	shalt  }
0x51: {  	_ =	shalt  }
0x52: {  	_ =	shalt  }
0x53: {  	_ =	shalt  }
0x54: {  	_ =	shalt  }
0x55: {  	_ =	shalt  }
0x56: {  	_ =	shalt  }
0x57: {  	_ =	shalt  }
0x58: {  	_ =	shalt  }
0x59: {  	_ =	shalt  }
0x5a: {  	_ =	shalt  }
0x5b: {  	_ =	shalt  }
0x5c: {  	_ =	shalt  }
0x5d: {  	_ =	shalt  }
0x5e: {  	_ =	shalt  }
0x5f: {  	_ =	shalt  }
0x60: {  	_ =	shalt  }
0x61: {  	_ =	shalt  }
0x62: {  	_ =	shalt  }
0x63: {  	_ =	shalt  }
0x64: {  	_ =	shalt  }
0x65: {  	_ =	shalt  }
0x66: {  	_ =	shalt  }
0x67: {  	_ =	shalt  }
0x68: {  	_ =	shalt  }
0x69: {  	_ =	shalt  }
0x6a: {  	_ =	shalt  }
0x6b: {  	_ =	shalt  }
0x6c: {  	_ =	shalt  }
0x6d: {  	_ =	shalt  }
0x6e: {  	_ =	shalt  }
0x6f: {  	_ =	shalt  }
0x70: {  	_ =	shalt  }
0x71: {  	_ =	shalt  }
0x72: {  	_ =	shalt  }
0x73: {  	_ =	shalt  }
0x74: {  	_ =	shalt  }
0x75: {  	_ =	shalt  }
0x76: {  	_ =	shalt  }
0x77: {  	_ =	shalt  }
0x78: {  	_ =	shalt  }
0x79: {  	_ =	shalt  }
0x7a: {  	_ =	shalt  }
0x7b: {  	_ =	shalt  }
0x7c: {  	_ =	shalt  }
0x7d: {  	_ =	shalt  }
0x7e: {  	_ =	shalt  }
0x7f: {  	_ =	shalt  }
0x80: {  	_ =	shalt  }
0x81: {  	_ =	shalt  }
0x82: {  	_ =	shalt  }
0x83: {  	_ =	shalt  }
0x84: {  	_ =	shalt  }
0x85: {  	_ =	shalt  }
0x86: {  	_ =	shalt  }
0x87: {  	_ =	shalt  }
.Lfunc_end0:
.L_simem_size_0:
called_computation_lowered:
.L_overlay_start_0:
0x88: {  	s2 =	sld [smem:$0x3FD9]  }
0x89: {  	s3 =	sld [smem:$0x3FFE];
	_ =	sdelay $0x1  }
0x8a: {  	s1 =	srdreg.scid  }
0x8b: {  	s0 =	sand.u32 $0x1, s1  }
0x8c: {  	s17 =	sshll.u32 s0, $0xA;
	s2 =	sadd.s32 s3, s2  }
0x8d: {  	s2 =	sadd.s32 s2, s17  }
0x8e: {  	[smem:$0x3FC6] =	sst s2  }
0x8f: {  	_ = 	snop  }
0x90: {  	s2 =	sld [smem:$0x3FD0];
	(tm) =	ssettm $0x1  }
0x91: {  	s18 =	sld [smem:$0x3FFB];
	_ =	sdelay $0x3  }
0x92: {  	_ =	strace s18  }
0x93: {  	s3 =	sld [smem:$0x3FFC];
	_ =	sdelay $0x3  }
0x94: {  	_ =	strace s3  }
0x95: {  	s3 =	sld [smem:$0x3FFD];
	_ =	sdelay $0x3  }
0x96: {  	_ =	strace s3  }
0x97: {  	_ =	strace $0x8FFFFFFF  }
0x98: {  	s19 =	sld [smem:$0x3FDB];
	_ =	sdelay $0x1  }
0x99: {  	s4 =	simm.s32 $_scs_section_size  }
0x9a: {  	s5 =	simm.s32 $_size__tile_overlayer_lowered;
	s6 =	simm.s32 $_tile_overlayer_lowered  }
0x9b: {  	s22 =	simm.s32 $0x1BFF;
	s21 =	sshll.u32 s6, $0x1;
	s3 =	sadd.s32 s4, s19  }
0x9c: {  	s7 =	simm.s32 $0x0;
	s20 =	sshll.u32 s5, $0x1;
	s5 =	sadd.s32 s21, s3  }
0x9d: {  	[timem:s7], [sflag:s22] =	dma.local [hbm:s5], s20  }
0x9e: {  	_ =	swait.ge [sflag:s22], s20  }
0x9f: {  	s4 =	ssub.s32 $0x0, s20;
	[sflag:s22] =	ssyncset.done $0x0  }
0xa0: {  	[sflag:s22] =	ssyncadd.s32 s4;
	_ =	sdelay $0x1  }
0xa1: {  	s23 =	simm.s32 $0x1B8B  }
0xa2: {  	_ =	swait.ge [sflag:s23], $0x1  }
0xa3: {  	[sflag:s23] =	ssyncset.done $0x0  }
0xa4: {  	s25 =	simm.s32 $0x1B8E;
	s24 =	sld [smem:$0x3FFE];
	[sflag:s23] =	ssyncadd.s32 $0xFFFFFFFF  }
0xa5: {  	s26 =	simm.s32 $execute0_lowered;
	[smem:$0x3FD2] =	sst s25  }
0xa6: {  	s5 =	sshll.u32 s26, $0x1;
	_ =	strace $0x80000046;
	[dreg:$0x1] =	wrdreg $0xFFFFFFFF  }
0xa7: {  	s28 =	simm.s32 $_size_execute0_lowered;
	s3 =	sadd.s32 s3, s5;
	[dreg:$0x0] =	wrdreg $0x0  }
0xa8: {  	s5 =	sshll.u32 s28, $0x1;
	[dreg:$0x2] =	wrdreg s3  }
0xa9: {  	[dreg:$0x3] =	wrdreg s5  }
0xaa: {  	[dreg:$0x4] =	wrdreg $0xC0  }
0xab: {  	_ =	task [dreg:s7], $0x5FFFF  }
0xac: {  	[dreg:$0x1] =	wrdreg $0xFFFFFFFF  }
0xad: {  	[dreg:$0x0] =	wrdreg $0x60  }
0xae: {  	[dreg:$0x2] =	wrdreg s24  }
0xaf: {  	[dreg:$0x3] =	wrdreg s2  }
0xb0: {  	[dreg:$0x4] =	wrdreg $0x9  }
0xb1: {  	_ =	task.clear_ibuf [dreg:s7], $0x5FFFF;
	_ =	strace $0x90000046  }
0xb2: {  	s29 =	simm.s32 $0x9;
	_ =	strace $0x80000048  }
0xb3: {  	_ =	swait.ge [sflag:s29], $0x1  }
0xb4: {  	[sflag:s29] =	ssyncadd.s32 $0xFFFFFFFF  }
0xb5: {  	_ =	strace $0x90000048  }
0xb6: {  	_ =	sfence  }
0xb7: {  	s30 =	sld [smem:$0x0];
	_ =	sdelay $0x2  }
0xb8: {  	s31 =	sshll.u32 s1, $0xD;
	s1 =	sshrl.u32 s1, $0x2  }
0xb9: {  	s3 =	sand.u32 $0x4000, s31;
	s1 =	sadd.s32 s1, s30  }
0xba: {  	s0 =	sor.u32 s3, s0;
	s1 =	sshll.u32 s1, $0x11  }
0xbb: {  	s0 =	sor.u32 s1, s0  }
0xbc: {  	s0 =	sadd.s32 $0x8F2B, s0  }
0xbd: {  	[sflag:s0] =	ssyncadd.remote.s32 $0x1  }
0xbe: {  	_ =	sfence.sel $0xFFFF  }
0xbf: {  	[dreg:$0x0] =	wrdreg $0xFFFFFFFF;
	(pc) =	sbr.abs _section_cstart, $3  }
0xc0: {  	[dreg:$0x1] =	wrdreg $0xFFFFFFFF  }
0xc1: {  	_ =	task.clear_ibuf [dreg:s7], $0x2FFFF;
	_ =	strace $0x9FFFFFFF  }
0xc2: {  	(tm) =	ssettm $0x7FFFFFFF  }
0xc3: {  	_ =	shalt  }
tec
execute0_lowered:
.L_overlay_start_1:
0x0: {  	(tag) =	ssettag $0x1  }
0x1: {  	s1 =	srdreg.scid  }
0x2: {  	s0 =	stileid.u32;
	s4 =	rddreg [dreg:$0x0]  }
0x3: {  	s28 =	simm.s32 $0x3;
	s29 =	simm.s32 $0x80;
	s30 =	simm.s32 $0x8080  }
0x4: {  	s31 =	simm.s32 $0x1;
	s1 =	sand.u32 $0x1, s1;
	s3 =	sshll.u32 s0, $0x1  }
0x5: {  	s5 =	sor.u32 s1, s3;
	s3 =	simm.s32 $0x0;
	s1 =	ssub.s32 $0x2, s1  }
0x6: {  	s6 =	sshll.u32 s5, $0x4;
	[smem:$0x7FF] =	sst s3;
	s5 =	sshll.u32 s5, $0x11  }
0x7: {  	s24 =	sshrl.u32 s1, $0x1;
	s6 =	sadd.s32 s6, s4;
	_ =	strace $0x80000047  }
0x8: {  	s25 =	sadd.s32 s5, s4;
	s1 =	ssub.s32 s1, s24;
	s14 =	sadd.s32 $0x400, s6  }
0x9: {  	s15 =	sadd.s32 $0x600, s25;
	s16 =	sadd.s32 $0x1600, s25;
	[dreg:$0x3] =	wrdreg s14  }
0xa: {  	s17 =	sadd.s32 $0x2600, s25;
	s18 =	sadd.s32 $0x3600, s25;
	[dreg:$0x4] =	wrdreg s15  }
0xb: {  	s19 =	sadd.s32 $0x4600, s25;
	s20 =	sadd.s32 $0x5600, s25;
	[dreg:$0x5] =	wrdreg s16  }
0xc: {  	s21 =	sadd.s32 $0x6600, s25;
	s22 =	sadd.s32 $0x7600, s25;
	[dreg:$0x6] =	wrdreg s17  }
0xd: {  	s23 =	sadd.s32 $0x8600, s25;
	s26 =	sadd.s32 $0x9600, s25;
	[dreg:$0x7] =	wrdreg s18  }
0xe: {  	s4 =	sadd.s32 $0xA600, s25;
	s5 =	sadd.s32 $0xB600, s25;
	[dreg:$0x8] =	wrdreg s19  }
0xf: {  	s6 =	sadd.s32 $0xC600, s25;
	s7 =	sadd.s32 $0xD600, s25;
	[dreg:$0x9] =	wrdreg s20  }
0x10: {  	s8 =	sadd.s32 $0xE600, s25;
	s9 =	sadd.s32 $0xF600, s25;
	[dreg:$0xa] =	wrdreg s21  }
0x11: {  	s10 =	sadd.s32 $0x10600, s25;
	s11 =	sadd.s32 $0x11600, s25;
	[dreg:$0xb] =	wrdreg s22  }
0x12: {  	s12 =	sadd.s32 $0x12600, s25;
	s13 =	sadd.s32 $0x13600, s25;
	[dreg:$0xc] =	wrdreg s23  }
0x13: {  	s24 =	sadd.s32 $0x1E600, s25;
	[dreg:$0xd] =	wrdreg s26;
	s14 =	sadd.s32 $0x14600, s25  }
0x14: {  	s15 =	sadd.s32 $0x15600, s25;
	s16 =	sadd.s32 $0x16600, s25;
	s17 =	sadd.s32 $0x17600, s25  }
0x15: {  	v0 =	vlaneseq.u32;
	v1 =	vimm.f32 $1.000000000e+00;
	s18 =	sadd.s32 $0x18600, s25;
	s19 =	sadd.s32 $0x19600, s25;
	s20 =	sadd.s32 $0x1A600, s25  }
0x16: {  	vm0 =	vcmask $0x1F10;
	v2 =	vimm.f32 $0.0e+00;
	v0 =	vand.u32 $0x3, v0;
	s21 =	sadd.s32 $0x1B600, s25;
	s22 =	sadd.s32 $0x1C600, s25;
	s23 =	sadd.s32 $0x1D600, s25  }
0x17: {  	vm1 =	vcmask $0x2F20;
	vm2 =	vcmask $0x3F30;
	v0 =	vmul.u32 $0x2000, v0;
	s25 =	sadd.s32 $0x1F600, s25;
	s26 =	smax.u32 s1, $0x1;
	s1 =	simm.s32 $0x2  }
.LBB2_1:
0x18: {  	s0 =	rddreg [dreg:$0x3]  }
0x19: {  	[tilespmem:s3], [sflag:$0x3] =	stream.linear.gather [hbm4b:s0+s3], $0x80, $0x38;
	[tilespmem:$0x10080] =	vst v63  }
0x1a: {  	_ =	swait.ge [sflag:s28], $0x80  }
0x1b: {  	[sflag:s28] =	ssyncset.done $0x0  }
0x1c: {  	[sflag:s28] =	ssyncadd.s32 $0xFFFFFF80  }
0x1d: {  	s2 =	rddreg [dreg:$0x1]  }
0x1e: {  	[tilespmem:s29], [sflag:$0x3] =	stream.linear.gather [hbm4b:s2+s3], $0x8000, $0x38;
	[tilespmem:$0x10080] =	vst v63  }
0x1f: {  	_ =	swait.ge [sflag:s28], $0x8000  }
0x20: {  	[sflag:s28] =	ssyncset.done $0x0  }
0x21: {  	[sflag:s28] =	ssyncadd.s32 $0xFFFF8000  }
0x22: {  	[tilespmem:s30], [sflag:$0x3] =	stream.linear.gather [hbm4b:s2+s3], $0x8000, $0x38;
	[tilespmem:$0x10080] =	vst v63  }
0x23: {  	_ =	swait.ge [sflag:s28], $0x8000  }
0x24: {  	[sflag:s28] =	ssyncset.done $0x0  }
0x25: {  	[sflag:s28] =	ssyncadd.s32 $0xFFFF8000  }
0x26: {  	v3 =	vld [tilespmem:$0x0];
	_ =	sdelay $0x4  }
0x27: {  	v3 =	vadd.s32 v0, v3;
	_ =	sdelay $0x4  }
0x28: {  	[tilespmem:v3+s29+$0x0] =	vst.idx.msk $0xf, v1  }
0x29: {  	s0 =	rddreg [dreg:$0x4];
	[tilespmem:v3+s30+$0x0] =	vst.idx.msk vm0, v1  }
0x2a: {  	[hbm4b:s0+s3] =	stream.linear.scatter [tilespmem:s29], [sflag:$0x1], $0x8000, $0x38;
	[tilespmem:$0x10080] =	vst v63  }
0x2b: {  	s2 =	rddreg [dreg:$0x5]  }
0x2c: {  	[hbm4b:s2+s3] =	stream.linear.scatter [tilespmem:s30], [sflag:$0x2], $0x8000, $0x38;
	[tilespmem:$0x10080] =	vst v63  }
0x2d: {  	_ =	swait.ge [sflag:s31], $0x8000  }
0x2e: {  	[sflag:s31] =	ssyncset.done $0x0  }
0x2f: {  	[sflag:s31] =	ssyncadd.s32 $0xFFFF8000  }
0x30: {  	_ =	swait.ge [sflag:s1], $0x8000  }
0x31: {  	[sflag:s1] =	ssyncset.done $0x0  }
0x32: {  	[sflag:s1] =	ssyncadd.s32 $0xFFFF8000  }
0x33: {  	[tilespmem:v3+s29+$0x0] =	vst.idx.msk $0xf, v2  }
0x34: {  	[tilespmem:v3+s30+$0x0] =	vst.idx.msk vm0, v2  }
0x35: {  	[tilespmem:v3+s29+$0x0] =	vst.idx.msk vm1, v1  }
0x36: {  	s0 =	rddreg [dreg:$0x6];
	[tilespmem:v3+s30+$0x0] =	vst.idx.msk vm2, v1  }
0x37: {  	[hbm4b:s0+s3] =	stream.linear.scatter [tilespmem:s29], [sflag:$0x1], $0x8000, $0x38;
	[tilespmem:$0x10080] =	vst v63  }
0x38: {  	s2 =	rddreg [dreg:$0x7]  }
0x39: {  	[hbm4b:s2+s3] =	stream.linear.scatter [tilespmem:s30], [sflag:$0x2], $0x8000, $0x38;
	[tilespmem:$0x10080] =	vst v63  }
0x3a: {  	_ =	swait.ge [sflag:s31], $0x8000  }
0x3b: {  	[sflag:s31] =	ssyncset.done $0x0  }
0x3c: {  	[sflag:s31] =	ssyncadd.s32 $0xFFFF8000  }
0x3d: {  	_ =	swait.ge [sflag:s1], $0x8000  }
0x3e: {  	[sflag:s1] =	ssyncset.done $0x0  }
0x3f: {  	[sflag:s1] =	ssyncadd.s32 $0xFFFF8000  }
0x40: {  	[tilespmem:v3+s29+$0x0] =	vst.idx.msk vm1, v2  }
0x41: {  	[tilespmem:v3+s30+$0x0] =	vst.idx.msk vm2, v2  }
0x42: {  	v3 =	vld [tilespmem:$0x10];
	_ =	sdelay $0x4  }
0x43: {  	v3 =	vadd.s32 v0, v3;
	_ =	sdelay $0x4  }
0x44: {  	[tilespmem:v3+s29+$0x0] =	vst.idx.msk $0xf, v1  }
0x45: {  	s0 =	rddreg [dreg:$0x8];
	[tilespmem:v3+s30+$0x0] =	vst.idx.msk vm0, v1  }
0x46: {  	[hbm4b:s0+s3] =	stream.linear.scatter [tilespmem:s29], [sflag:$0x1], $0x8000, $0x38;
	[tilespmem:$0x10080] =	vst v63  }
0x47: {  	s2 =	rddreg [dreg:$0x9]  }
0x48: {  	[hbm4b:s2+s3] =	stream.linear.scatter [tilespmem:s30], [sflag:$0x2], $0x8000, $0x38;
	[tilespmem:$0x10080] =	vst v63  }
0x49: {  	_ =	swait.ge [sflag:s31], $0x8000  }
0x4a: {  	[sflag:s31] =	ssyncset.done $0x0  }
0x4b: {  	[sflag:s31] =	ssyncadd.s32 $0xFFFF8000  }
0x4c: {  	_ =	swait.ge [sflag:s1], $0x8000  }
0x4d: {  	[sflag:s1] =	ssyncset.done $0x0  }
0x4e: {  	[sflag:s1] =	ssyncadd.s32 $0xFFFF8000  }
0x4f: {  	[tilespmem:v3+s29+$0x0] =	vst.idx.msk $0xf, v2  }
0x50: {  	[tilespmem:v3+s30+$0x0] =	vst.idx.msk vm0, v2  }
0x51: {  	[tilespmem:v3+s29+$0x0] =	vst.idx.msk vm1, v1  }
0x52: {  	s0 =	rddreg [dreg:$0xa];
	[tilespmem:v3+s30+$0x0] =	vst.idx.msk vm2, v1  }
0x53: {  	[hbm4b:s0+s3] =	stream.linear.scatter [tilespmem:s29], [sflag:$0x1], $0x8000, $0x38;
	[tilespmem:$0x10080] =	vst v63  }
0x54: {  	s2 =	rddreg [dreg:$0xb]  }
0x55: {  	[hbm4b:s2+s3] =	stream.linear.scatter [tilespmem:s30], [sflag:$0x2], $0x8000, $0x38;
	[tilespmem:$0x10080] =	vst v63  }
0x56: {  	_ =	swait.ge [sflag:s31], $0x8000  }
0x57: {  	[sflag:s31] =	ssyncset.done $0x0  }
0x58: {  	[sflag:s31] =	ssyncadd.s32 $0xFFFF8000  }
0x59: {  	_ =	swait.ge [sflag:s1], $0x8000  }
0x5a: {  	[sflag:s1] =	ssyncset.done $0x0  }
0x5b: {  	[sflag:s1] =	ssyncadd.s32 $0xFFFF8000  }
0x5c: {  	[tilespmem:v3+s29+$0x0] =	vst.idx.msk vm1, v2  }
0x5d: {  	[tilespmem:v3+s30+$0x0] =	vst.idx.msk vm2, v2  }
0x5e: {  	v3 =	vld [tilespmem:$0x20];
	_ =	sdelay $0x4  }
0x5f: {  	v3 =	vadd.s32 v0, v3;
	_ =	sdelay $0x4  }
0x60: {  	[tilespmem:v3+s29+$0x0] =	vst.idx.msk $0xf, v1  }
0x61: {  	s0 =	rddreg [dreg:$0xc];
	[tilespmem:v3+s30+$0x0] =	vst.idx.msk vm0, v1  }
0x62: {  	[hbm4b:s0+s3] =	stream.linear.scatter [tilespmem:s29], [sflag:$0x1], $0x8000, $0x38;
	[tilespmem:$0x10080] =	vst v63  }
0x63: {  	s2 =	rddreg [dreg:$0xd]  }
0x64: {  	[hbm4b:s2+s3] =	stream.linear.scatter [tilespmem:s30], [sflag:$0x2], $0x8000, $0x38;
	[tilespmem:$0x10080] =	vst v63  }
0x65: {  	_ =	swait.ge [sflag:s31], $0x8000  }
0x66: {  	[sflag:s31] =	ssyncset.done $0x0  }
0x67: {  	[sflag:s31] =	ssyncadd.s32 $0xFFFF8000  }
0x68: {  	_ =	swait.ge [sflag:s1], $0x8000  }
0x69: {  	[sflag:s1] =	ssyncset.done $0x0  }
0x6a: {  	[sflag:s1] =	ssyncadd.s32 $0xFFFF8000  }
0x6b: {  	[tilespmem:v3+s29+$0x0] =	vst.idx.msk $0xf, v2  }
0x6c: {  	[tilespmem:v3+s30+$0x0] =	vst.idx.msk vm0, v2  }
0x6d: {  	[tilespmem:v3+s29+$0x0] =	vst.idx.msk vm1, v1  }
0x6e: {  	[tilespmem:v3+s30+$0x0] =	vst.idx.msk vm2, v1  }
0x6f: {  	[hbm4b:s4+s3] =	stream.linear.scatter [tilespmem:s29], [sflag:$0x1], $0x8000, $0x38;
	[tilespmem:$0x10080] =	vst v63  }
0x70: {  	_ = 	snop  }
0x71: {  	[hbm4b:s5+s3] =	stream.linear.scatter [tilespmem:s30], [sflag:$0x2], $0x8000, $0x38;
	[tilespmem:$0x10080] =	vst v63  }
0x72: {  	_ =	swait.ge [sflag:s31], $0x8000  }
0x73: {  	[sflag:s31] =	ssyncset.done $0x0  }
0x74: {  	[sflag:s31] =	ssyncadd.s32 $0xFFFF8000  }
0x75: {  	_ =	swait.ge [sflag:s1], $0x8000  }
0x76: {  	[sflag:s1] =	ssyncset.done $0x0  }
0x77: {  	[sflag:s1] =	ssyncadd.s32 $0xFFFF8000  }
0x78: {  	[tilespmem:v3+s29+$0x0] =	vst.idx.msk vm1, v2  }
0x79: {  	[tilespmem:v3+s30+$0x0] =	vst.idx.msk vm2, v2  }
0x7a: {  	v3 =	vld [tilespmem:$0x30];
	_ =	sdelay $0x4  }
0x7b: {  	v3 =	vadd.s32 v0, v3;
	_ =	sdelay $0x4  }
0x7c: {  	[tilespmem:v3+s29+$0x0] =	vst.idx.msk $0xf, v1  }
0x7d: {  	[tilespmem:v3+s30+$0x0] =	vst.idx.msk vm0, v1  }
0x7e: {  	[hbm4b:s6+s3] =	stream.linear.scatter [tilespmem:s29], [sflag:$0x1], $0x8000, $0x38;
	[tilespmem:$0x10080] =	vst v63  }
0x7f: {  	_ = 	snop  }
0x80: {  	[hbm4b:s7+s3] =	stream.linear.scatter [tilespmem:s30], [sflag:$0x2], $0x8000, $0x38;
	[tilespmem:$0x10080] =	vst v63  }
0x81: {  	_ =	swait.ge [sflag:s31], $0x8000  }
0x82: {  	[sflag:s31] =	ssyncset.done $0x0  }
0x83: {  	[sflag:s31] =	ssyncadd.s32 $0xFFFF8000  }
0x84: {  	_ =	swait.ge [sflag:s1], $0x8000  }
0x85: {  	[sflag:s1] =	ssyncset.done $0x0  }
0x86: {  	[sflag:s1] =	ssyncadd.s32 $0xFFFF8000  }
0x87: {  	[tilespmem:v3+s29+$0x0] =	vst.idx.msk $0xf, v2  }
0x88: {  	[tilespmem:v3+s30+$0x0] =	vst.idx.msk vm0, v2  }
0x89: {  	[tilespmem:v3+s29+$0x0] =	vst.idx.msk vm1, v1  }
0x8a: {  	[tilespmem:v3+s30+$0x0] =	vst.idx.msk vm2, v1  }
0x8b: {  	[hbm4b:s8+s3] =	stream.linear.scatter [tilespmem:s29], [sflag:$0x1], $0x8000, $0x38;
	[tilespmem:$0x10080] =	vst v63  }
0x8c: {  	_ = 	snop  }
0x8d: {  	[hbm4b:s9+s3] =	stream.linear.scatter [tilespmem:s30], [sflag:$0x2], $0x8000, $0x38;
	[tilespmem:$0x10080] =	vst v63  }
0x8e: {  	_ =	swait.ge [sflag:s31], $0x8000  }
0x8f: {  	[sflag:s31] =	ssyncset.done $0x0  }
0x90: {  	[sflag:s31] =	ssyncadd.s32 $0xFFFF8000  }
0x91: {  	_ =	swait.ge [sflag:s1], $0x8000  }
0x92: {  	[sflag:s1] =	ssyncset.done $0x0  }
0x93: {  	[sflag:s1] =	ssyncadd.s32 $0xFFFF8000  }
0x94: {  	[tilespmem:v3+s29+$0x0] =	vst.idx.msk vm1, v2  }
0x95: {  	[tilespmem:v3+s30+$0x0] =	vst.idx.msk vm2, v2  }
0x96: {  	v3 =	vld [tilespmem:$0x40];
	_ =	sdelay $0x4  }
0x97: {  	v3 =	vadd.s32 v0, v3;
	_ =	sdelay $0x4  }
0x98: {  	[tilespmem:v3+s29+$0x0] =	vst.idx.msk $0xf, v1  }
0x99: {  	[tilespmem:v3+s30+$0x0] =	vst.idx.msk vm0, v1  }
0x9a: {  	[hbm4b:s10+s3] =	stream.linear.scatter [tilespmem:s29], [sflag:$0x1], $0x8000, $0x38;
	[tilespmem:$0x10080] =	vst v63  }
0x9b: {  	_ = 	snop  }
0x9c: {  	[hbm4b:s11+s3] =	stream.linear.scatter [tilespmem:s30], [sflag:$0x2], $0x8000, $0x38;
	[tilespmem:$0x10080] =	vst v63  }
0x9d: {  	_ =	swait.ge [sflag:s31], $0x8000  }
0x9e: {  	[sflag:s31] =	ssyncset.done $0x0  }
0x9f: {  	[sflag:s31] =	ssyncadd.s32 $0xFFFF8000  }
0xa0: {  	_ =	swait.ge [sflag:s1], $0x8000  }
0xa1: {  	[sflag:s1] =	ssyncset.done $0x0  }
0xa2: {  	[sflag:s1] =	ssyncadd.s32 $0xFFFF8000  }
0xa3: {  	[tilespmem:v3+s29+$0x0] =	vst.idx.msk $0xf, v2  }
0xa4: {  	[tilespmem:v3+s30+$0x0] =	vst.idx.msk vm0, v2  }
0xa5: {  	[tilespmem:v3+s29+$0x0] =	vst.idx.msk vm1, v1  }
0xa6: {  	[tilespmem:v3+s30+$0x0] =	vst.idx.msk vm2, v1  }
0xa7: {  	[hbm4b:s12+s3] =	stream.linear.scatter [tilespmem:s29], [sflag:$0x1], $0x8000, $0x38;
	[tilespmem:$0x10080] =	vst v63  }
0xa8: {  	_ = 	snop  }
0xa9: {  	[hbm4b:s13+s3] =	stream.linear.scatter [tilespmem:s30], [sflag:$0x2], $0x8000, $0x38;
	[tilespmem:$0x10080] =	vst v63  }
0xaa: {  	_ =	swait.ge [sflag:s31], $0x8000  }
0xab: {  	[sflag:s31] =	ssyncset.done $0x0  }
0xac: {  	[sflag:s31] =	ssyncadd.s32 $0xFFFF8000  }
0xad: {  	_ =	swait.ge [sflag:s1], $0x8000  }
0xae: {  	[sflag:s1] =	ssyncset.done $0x0  }
0xaf: {  	[sflag:s1] =	ssyncadd.s32 $0xFFFF8000  }
0xb0: {  	[tilespmem:v3+s29+$0x0] =	vst.idx.msk vm1, v2  }
0xb1: {  	[tilespmem:v3+s30+$0x0] =	vst.idx.msk vm2, v2  }
0xb2: {  	v3 =	vld [tilespmem:$0x50];
	_ =	sdelay $0x4  }
0xb3: {  	v3 =	vadd.s32 v0, v3;
	_ =	sdelay $0x4  }
0xb4: {  	[tilespmem:v3+s29+$0x0] =	vst.idx.msk $0xf, v1  }
0xb5: {  	[tilespmem:v3+s30+$0x0] =	vst.idx.msk vm0, v1  }
0xb6: {  	[hbm4b:s14+s3] =	stream.linear.scatter [tilespmem:s29], [sflag:$0x1], $0x8000, $0x38;
	[tilespmem:$0x10080] =	vst v63  }
0xb7: {  	_ = 	snop  }
0xb8: {  	[hbm4b:s15+s3] =	stream.linear.scatter [tilespmem:s30], [sflag:$0x2], $0x8000, $0x38;
	[tilespmem:$0x10080] =	vst v63  }
0xb9: {  	_ =	swait.ge [sflag:s31], $0x8000  }
0xba: {  	[sflag:s31] =	ssyncset.done $0x0  }
0xbb: {  	[sflag:s31] =	ssyncadd.s32 $0xFFFF8000  }
0xbc: {  	_ =	swait.ge [sflag:s1], $0x8000  }
0xbd: {  	[sflag:s1] =	ssyncset.done $0x0  }
0xbe: {  	[sflag:s1] =	ssyncadd.s32 $0xFFFF8000  }
0xbf: {  	[tilespmem:v3+s29+$0x0] =	vst.idx.msk $0xf, v2  }
0xc0: {  	[tilespmem:v3+s30+$0x0] =	vst.idx.msk vm0, v2  }
0xc1: {  	[tilespmem:v3+s29+$0x0] =	vst.idx.msk vm1, v1  }
0xc2: {  	[tilespmem:v3+s30+$0x0] =	vst.idx.msk vm2, v1  }
0xc3: {  	[hbm4b:s16+s3] =	stream.linear.scatter [tilespmem:s29], [sflag:$0x1], $0x8000, $0x38;
	[tilespmem:$0x10080] =	vst v63  }
0xc4: {  	_ = 	snop  }
0xc5: {  	[hbm4b:s17+s3] =	stream.linear.scatter [tilespmem:s30], [sflag:$0x2], $0x8000, $0x38;
	[tilespmem:$0x10080] =	vst v63  }
0xc6: {  	_ =	swait.ge [sflag:s31], $0x8000  }
0xc7: {  	[sflag:s31] =	ssyncset.done $0x0  }
0xc8: {  	[sflag:s31] =	ssyncadd.s32 $0xFFFF8000  }
0xc9: {  	_ =	swait.ge [sflag:s1], $0x8000  }
0xca: {  	[sflag:s1] =	ssyncset.done $0x0  }
0xcb: {  	[sflag:s1] =	ssyncadd.s32 $0xFFFF8000  }
0xcc: {  	[tilespmem:v3+s29+$0x0] =	vst.idx.msk vm1, v2  }
0xcd: {  	[tilespmem:v3+s30+$0x0] =	vst.idx.msk vm2, v2  }
0xce: {  	v3 =	vld [tilespmem:$0x60];
	_ =	sdelay $0x4  }
0xcf: {  	v3 =	vadd.s32 v0, v3;
	_ =	sdelay $0x4  }
0xd0: {  	[tilespmem:v3+s29+$0x0] =	vst.idx.msk $0xf, v1  }
0xd1: {  	[tilespmem:v3+s30+$0x0] =	vst.idx.msk vm0, v1  }
0xd2: {  	[hbm4b:s18+s3] =	stream.linear.scatter [tilespmem:s29], [sflag:$0x1], $0x8000, $0x38;
	[tilespmem:$0x10080] =	vst v63  }
0xd3: {  	_ = 	snop  }
0xd4: {  	[hbm4b:s19+s3] =	stream.linear.scatter [tilespmem:s30], [sflag:$0x2], $0x8000, $0x38;
	[tilespmem:$0x10080] =	vst v63  }
0xd5: {  	_ =	swait.ge [sflag:s31], $0x8000  }
0xd6: {  	[sflag:s31] =	ssyncset.done $0x0  }
0xd7: {  	[sflag:s31] =	ssyncadd.s32 $0xFFFF8000  }
0xd8: {  	_ =	swait.ge [sflag:s1], $0x8000  }
0xd9: {  	[sflag:s1] =	ssyncset.done $0x0  }
0xda: {  	[sflag:s1] =	ssyncadd.s32 $0xFFFF8000  }
0xdb: {  	[tilespmem:v3+s29+$0x0] =	vst.idx.msk $0xf, v2  }
0xdc: {  	[tilespmem:v3+s30+$0x0] =	vst.idx.msk vm0, v2  }
0xdd: {  	[tilespmem:v3+s29+$0x0] =	vst.idx.msk vm1, v1  }
0xde: {  	[tilespmem:v3+s30+$0x0] =	vst.idx.msk vm2, v1  }
0xdf: {  	[hbm4b:s20+s3] =	stream.linear.scatter [tilespmem:s29], [sflag:$0x1], $0x8000, $0x38;
	[tilespmem:$0x10080] =	vst v63  }
0xe0: {  	_ = 	snop  }
0xe1: {  	[hbm4b:s21+s3] =	stream.linear.scatter [tilespmem:s30], [sflag:$0x2], $0x8000, $0x38;
	[tilespmem:$0x10080] =	vst v63  }
0xe2: {  	_ =	swait.ge [sflag:s31], $0x8000  }
0xe3: {  	[sflag:s31] =	ssyncset.done $0x0  }
0xe4: {  	[sflag:s31] =	ssyncadd.s32 $0xFFFF8000  }
0xe5: {  	_ =	swait.ge [sflag:s1], $0x8000  }
0xe6: {  	[sflag:s1] =	ssyncset.done $0x0  }
0xe7: {  	[sflag:s1] =	ssyncadd.s32 $0xFFFF8000  }
0xe8: {  	[tilespmem:v3+s29+$0x0] =	vst.idx.msk vm1, v2  }
0xe9: {  	[tilespmem:v3+s30+$0x0] =	vst.idx.msk vm2, v2  }
0xea: {  	v3 =	vld [tilespmem:$0x70];
	_ =	sdelay $0x4  }
0xeb: {  	v3 =	vadd.s32 v0, v3;
	_ =	sdelay $0x4  }
0xec: {  	[tilespmem:v3+s29+$0x0] =	vst.idx.msk $0xf, v1  }
0xed: {  	[tilespmem:v3+s30+$0x0] =	vst.idx.msk vm0, v1  }
0xee: {  	[hbm4b:s22+s3] =	stream.linear.scatter [tilespmem:s29], [sflag:$0x1], $0x8000, $0x38;
	[tilespmem:$0x10080] =	vst v63  }
0xef: {  	_ = 	snop  }
0xf0: {  	[hbm4b:s23+s3] =	stream.linear.scatter [tilespmem:s30], [sflag:$0x2], $0x8000, $0x38;
	[tilespmem:$0x10080] =	vst v63  }
0xf1: {  	_ =	swait.ge [sflag:s31], $0x8000  }
0xf2: {  	[sflag:s31] =	ssyncset.done $0x0  }
0xf3: {  	[sflag:s31] =	ssyncadd.s32 $0xFFFF8000  }
0xf4: {  	_ =	swait.ge [sflag:s1], $0x8000  }
0xf5: {  	[sflag:s1] =	ssyncset.done $0x0  }
0xf6: {  	[sflag:s1] =	ssyncadd.s32 $0xFFFF8000  }
0xf7: {  	[tilespmem:v3+s29+$0x0] =	vst.idx.msk $0xf, v2  }
0xf8: {  	[tilespmem:v3+s30+$0x0] =	vst.idx.msk vm0, v2  }
0xf9: {  	[tilespmem:v3+s29+$0x0] =	vst.idx.msk vm1, v1  }
0xfa: {  	[tilespmem:v3+s30+$0x0] =	vst.idx.msk vm2, v1  }
0xfb: {  	[hbm4b:s24+s3] =	stream.linear.scatter [tilespmem:s29], [sflag:$0x1], $0x8000, $0x38;
	[tilespmem:$0x10080] =	vst v63  }
0xfc: {  	_ = 	snop  }
0xfd: {  	[hbm4b:s25+s3] =	stream.linear.scatter [tilespmem:s30], [sflag:$0x2], $0x8000, $0x38;
	[tilespmem:$0x10080] =	vst v63  }
0xfe: {  	_ =	swait.ge [sflag:s31], $0x8000  }
0xff: {  	[sflag:s31] =	ssyncset.done $0x0  }
0x100: {  	p0 =	sne.s32 s26, $0x1;
	[sflag:s31] =	ssyncadd.s32 $0xFFFF8000  }
.Ltmp0:
0x101: {  	_ =	swait.ge [sflag:s1], $0x8000;
	(pc) =	sbr.rel @p0 .LBB2_1-.Ltmp0, $4  }
0x102: {  	[sflag:s1] =	ssyncset.done $0x0  }
0x103: {  	[sflag:s1] =	ssyncadd.s32 $0xFFFF8000  }
0x104: {  	[tilespmem:v3+s29+$0x0] =	vst.idx.msk vm1, v2  }
0x105: {  	s26 =	sadd.s32 $0xFFFFFFFF, s26;
	[tilespmem:v3+s30+$0x0] =	vst.idx.msk vm2, v2  }
0x106: {  	_ =	sfence.sel $0x180000  }
0x107: {  	[bflag:$0x0] =	sbarrier.arrive $0xFFFF  }
0x108: {  	_ =	strace $0x90000047  }
0x109: {  	s0 =	stileid.u32;
	[bflag:$0x2] =	sbarrier.arrive $0xFFFF  }
0x10a: {  	p0 =	sne.s32 s0, $0x0;
	s0 =	rddreg [dreg:$0x2]  }
0x10b: {  	s0 =	sadd.s32 @!p0 $0x100000, s0  }
0x10c: {  	[sflag:s0] =	ssyncadd.tile.s32 @!p0 $0x1;
	_ =	shalt  }
.Lfunc_end2:
_tile_overlayer_lowered:
.L_overlay_start_2:
0x10d: {  	(tag) =	ssettag $0x2  }
0x10e: {  	s0 =	rddreg [dreg:$0x0];
	s2 =	stileid.u32  }
0x10f: {  	s1 =	rddreg [dreg:$0x1];
	p0 =	sne.s32 s2, $0x0  }
0x110: {  	s3 =	rddreg [dreg:$0x2];
	[bflag:$0x3] =	sbarrier.arrive $0xFFFF;
	s2 =	simm.s32 @!p0 $0x1C03  }
0x111: {  	[timem:s3], [sflag:s2] =	dma.local @!p0 [hbm:s0], s1  }
0x112: {  	s0 =	simm.s32 @!p0 $0x3  }
0x113: {  	_ =	swait.ge @!p0 [sflag:s0], s1  }
0x114: {  	s1 =	ssub.s32 @!p0 $0x0, s1;
	[sflag:s0] =	ssyncset.done @!p0 $0x0  }
0x115: {  	[sflag:s0] =	ssyncadd.s32 @!p0 s1  }
0x116: {  	[bflag:$0x3] =	sbarrier.arrive $0xFFFF  }
0x117: {  	_ =	shalt  }

</sc_bundles>
